<compile_context>
chip_gen: v7x
topology: tpu7x:2x2x1
jax: 0.10.2.dev20260603
libtpu: 0.0.44.dev20260713+nightly
codegen_flags: <defaults>
</compile_context>

<pallas_src>
import functools

import jax
import jax.numpy as jnp
from jax import lax
from jax.experimental import pallas as pl
from jax.experimental.pallas import tpu as pltpu
from jax.experimental.pallas import tpu_sc as plsc


def _make_gather(B: int, S: int, V: int, D: int):
    info = plsc.get_sparse_core_info()
    NC, NS = info.num_cores, info.num_subcores
    NW = NC * NS
    N = B * S
    rows_per_w = N // NW
    C = 8
    NBUF = 8
    n_chunks = rows_per_w // C
    M = NBUF * ((n_chunks - NBUF) // NBUF)
    T = n_chunks - M
    assert NBUF <= T < 2 * NBUF and M > 0 and M % NBUF == 0
    assert S % rows_per_w == 0

    w_per_b = S // rows_per_w

    mesh = plsc.VectorSubcoreMesh(core_axis_name="c", subcore_axis_name="s")

    @functools.partial(
        pl.kernel,
        mesh=mesh,
        out_type=jax.ShapeDtypeStruct((B, S, D), jnp.float32),
        scratch_types=[
            pltpu.VMEM((rows_per_w,), jnp.int32),
            pltpu.VMEM((NBUF * C, D), jnp.float32),
            pltpu.SemaphoreType.DMA((NBUF,)),
            pltpu.SemaphoreType.DMA((NBUF,)),
        ],
    )
    def gather_kernel(table_hbm, idx_hbm, out_hbm, idx_v, rows_v, gsem, wsem):
        wid = lax.axis_index("s") * NC + lax.axis_index("c")
        bi = wid // w_per_b
        base = (wid % w_per_b) * rows_per_w

        def gather_start(j, b):
            pltpu.async_copy(
                table_hbm.at[idx_v.at[pl.ds(j * C, C)]],
                rows_v.at[pl.ds(b * C, C)], gsem.at[b])

        def gather_wait(j, b):
            pltpu.make_async_copy(
                table_hbm.at[idx_v.at[pl.ds(j * C, C)]],
                rows_v.at[pl.ds(b * C, C)], gsem.at[b]).wait()

        def write_start(j, b, k=1):
            pltpu.async_copy(
                rows_v.at[pl.ds(b * C, k * C)],
                out_hbm.at[bi, pl.ds(base + j * C, k * C)], wsem.at[b])

        def write_wait(j, b, k=1):
            pltpu.make_async_copy(
                rows_v.at[pl.ds(b * C, k * C)],
                out_hbm.at[bi, pl.ds(base + j * C, k * C)], wsem.at[b]).wait()

        pltpu.sync_copy(idx_hbm.at[bi, pl.ds(base, rows_per_w)], idx_v)
        for b in range(NBUF):
            gather_start(b, b)
        def round_body(g):
            for p in range(0, NBUF, 2):
                gather_wait(g + p, p)
                gather_wait(g + p + 1, p + 1)
                write_start(g + p, p, k=2)
            for p in range(0, NBUF, 2):
                write_wait(g + p, p, k=2)
                gather_start(g + p + NBUF, p)
                gather_start(g + p + 1 + NBUF, p + 1)
        pl.loop(0, M, step=NBUF)(round_body)
        for t in range(NBUF):
            gather_wait(M + t, t)
            write_start(M + t, t)
        for t in range(NBUF, T):
            s = t - NBUF
            write_wait(M + s, s)
            gather_start(M + t, s)
        for t in range(NBUF, T):
            s = t - NBUF
            gather_wait(M + t, s)
            write_start(M + t, s)
        for s in range(T - NBUF):
            write_wait(M + NBUF + s, s)
        for s in range(T - NBUF, NBUF):
            write_wait(M + s, s)

    return gather_kernel


def kernel(input_ids, word_embeddings):
    B, S = input_ids.shape
    V, D = word_embeddings.shape
    ids = input_ids.astype(jnp.int32)
    return _make_gather(B, S, V, D)(word_embeddings, ids)

# --- scband reference (transcript-rebuilt; emitter-appended) ---
"""Pipeline reference for scband-megalodon-embeddings-12455405158578 (READ-ONLY COPY).

The authoritative reference and input builder live on the scoring server;
editing this copy changes nothing except your own understanding.
"""

import jax, jax.numpy as jnp
import numpy as np

VOCAB = 100000
HIDDEN = 1024
BATCH = 4
SEQ = 8192
PAD_IDX = 0

def setup_inputs(seed: int = 0) -> dict:
    key = jax.random.key(seed)
    k1, k2 = jax.random.split(key)
    input_ids = jax.random.randint(k1, (BATCH, SEQ), 0, VOCAB, dtype=jnp.int64 if jax.config.read('jax_enable_x64') else jnp.int32)
    word_embeddings = jax.random.normal(k2, (VOCAB, HIDDEN), dtype=jnp.float32) * 0.02
    # nn.Embedding with padding_idx zeros that row at init
    word_embeddings = word_embeddings.at[PAD_IDX].set(0.0)
    return {"input_ids": input_ids, "word_embeddings": word_embeddings}

def reference(input_ids, word_embeddings):
    # Megalodon token embeddings (token-type embeddings disabled):
    # embeddings = word_embeddings[input_ids]
    embeddings = jnp.take(word_embeddings, input_ids, axis=0)
    return embeddings

if __name__ == "__main__":
    import jax
    _d = setup_inputs()
    print(jax.jit(kernel)(*tuple(_d.values())))

</pallas_src>

<mosaic_0001>
#map = affine_map<(d0, d1) -> (0, 0)>
#map1 = affine_map<(d0, d1) -> (0, 0, 0)>
module attributes {stable_mosaic.version = 14 : i64} {
  func.func @gather_kernel(%arg0: i32, %arg1: i32, %arg2: memref<100000x1024xf32, #tpu.memory_space<hbm>>, %arg3: memref<4x8192xi32, #tpu.memory_space<hbm>>, %arg4: memref<4x8192x1024xf32, #tpu.memory_space<hbm>>, %arg5: memref<1024xi32, #tpu.memory_space<vmem>>, %arg6: memref<64x1024xf32, #tpu.memory_space<vmem>>, %arg7: memref<8x!tpu.dma_semaphore, #tpu.memory_space<semaphore_mem>>, %arg8: memref<8x!tpu.dma_semaphore, #tpu.memory_space<semaphore_mem>>) attributes {dimension_semantics = [#tpu.dimension_semantics<core_parallel>, #tpu.dimension_semantics<subcore_parallel>], iteration_bounds = array<i64: 2, 16>, scalar_prefetch = 0 : i64, scratch_operands = 4 : i64, tpu.core_type = #tpu.core_type<sc_vector_subcore>, window_params = [{transform_indices = #map}, {transform_indices = #map}, {transform_indices = #map1}]} {
    %mul3A = arith.constant 2 : i32
    %mul3A_0 = arith.muli %arg1, %mul3A : i32
    %add3A = arith.addi %mul3A_0, %arg0 : i32
    %jit3A = arith.constant 8 : i32
    %div3A = arith.divsi %add3A, %jit3A : i32
    %sign3A = arith.constant 0 : i32
    %sign3A_1 = arith.cmpi sgt, %add3A, %sign3A : i32
    %sign3A_2 = arith.extui %sign3A_1 : i1 to i32
    %sign3A_3 = arith.constant 0 : i32
    %sign3A_4 = arith.cmpi slt, %add3A, %sign3A_3 : i32
    %sign3A_5 = arith.extui %sign3A_4 : i1 to i32
    %sign3A_6 = arith.subi %sign3A_2, %sign3A_5 : i32
    %sign3A_7 = arith.constant 0 : i32
    %sign3A_8 = arith.cmpi sgt, %jit3A, %sign3A_7 : i32
    %sign3A_9 = arith.extui %sign3A_8 : i1 to i32
    %sign3A_10 = arith.constant 0 : i32
    %sign3A_11 = arith.cmpi slt, %jit3A, %sign3A_10 : i32
    %sign3A_12 = arith.extui %sign3A_11 : i1 to i32
    %sign3A_13 = arith.subi %sign3A_9, %sign3A_12 : i32
    %ne3A = arith.cmpi ne, %sign3A_6, %sign3A_13 : i32
    %rem3A = arith.remsi %add3A, %jit3A : i32
    %ne3A_14 = arith.constant 0 : i32
    %ne3A_15 = arith.cmpi ne, %rem3A, %ne3A_14 : i32
    %and3A = arith.andi %ne3A, %ne3A_15 : i1
    %sub3A = arith.constant 1 : i32
    %sub3A_16 = arith.subi %div3A, %sub3A : i32
    %select_n3A = arith.select %and3A, %sub3A_16, %div3A : i32
    %jit3A_17 = arith.constant 8 : i32
    %eq3A = arith.constant 0 : i32
    %eq3A_18 = arith.cmpi eq, %jit3A_17, %eq3A : i32
    %jit3A_19 = arith.constant 1 : i32
    %select_n3A_20 = arith.select %eq3A_18, %jit3A_19, %jit3A_17 : i32
    %rem3A_21 = arith.remsi %add3A, %select_n3A_20 : i32
    %ne3A_22 = arith.constant 0 : i32
    %ne3A_23 = arith.cmpi ne, %rem3A_21, %ne3A_22 : i32
    %lt3A = arith.constant 0 : i32
    %lt3A_24 = arith.cmpi slt, %rem3A_21, %lt3A : i32
    %lt3A_25 = arith.constant 0 : i32
    %lt3A_26 = arith.cmpi slt, %select_n3A_20, %lt3A_25 : i32
    %ne3A_27 = arith.xori %lt3A_24, %lt3A_26 : i1
    %and3A_28 = arith.andi %ne3A_27, %ne3A_23 : i1
    %add3A_29 = arith.addi %rem3A_21, %select_n3A_20 : i32
    %select_n3A_30 = arith.select %and3A_28, %add3A_29, %rem3A_21 : i32
    %mul3A_31 = arith.constant 1024 : i32
    %mul3A_32 = arith.muli %select_n3A_30, %mul3A_31 : i32
    "tpu.region"() ({
      %run_scoped3A = tpu.sem_alloc : memref<!tpu.dma_semaphore, #tpu.memory_space<semaphore_mem>>
      %dma_start3A_483 = tpu.memref_slice %arg3[%select_n3A, %mul3A_32] : memref<4x8192xi32, #tpu.memory_space<hbm>> -> memref<1x1024xi32, #tpu.memory_space<hbm>>
      %dma_start3A_484 = tpu.memref_squeeze %dma_start3A_483 : memref<1x1024xi32, #tpu.memory_space<hbm>> -> memref<1024xi32, #tpu.memory_space<hbm>>
      %dma_start3A_485 = tpu.memref_slice %arg3[%select_n3A, %mul3A_32] : memref<4x8192xi32, #tpu.memory_space<hbm>> -> memref<1x1024xi32, #tpu.memory_space<hbm>>
      %dma_start3A_486 = tpu.memref_squeeze %dma_start3A_485 : memref<1x1024xi32, #tpu.memory_space<hbm>> -> memref<1024xi32, #tpu.memory_space<hbm>>
      tpu.enqueue_dma source(%dma_start3A_486 : memref<1024xi32, #tpu.memory_space<hbm>>) target(%arg5 : memref<1024xi32, #tpu.memory_space<vmem>>) target_semaphore(%run_scoped3A : memref<!tpu.dma_semaphore, #tpu.memory_space<semaphore_mem>>)
      %dma_wait3A_487 = tpu.memref_slice %arg3[%select_n3A, %mul3A_32] : memref<4x8192xi32, #tpu.memory_space<hbm>> -> memref<1x1024xi32, #tpu.memory_space<hbm>>
      %dma_wait3A_488 = tpu.memref_squeeze %dma_wait3A_487 : memref<1x1024xi32, #tpu.memory_space<hbm>> -> memref<1024xi32, #tpu.memory_space<hbm>>
      %dma_wait3A_489 = tpu.memref_slice %arg3[%select_n3A, %mul3A_32] : memref<4x8192xi32, #tpu.memory_space<hbm>> -> memref<1x1024xi32, #tpu.memory_space<hbm>>
      %dma_wait3A_490 = tpu.memref_squeeze %dma_wait3A_489 : memref<1x1024xi32, #tpu.memory_space<hbm>> -> memref<1024xi32, #tpu.memory_space<hbm>>
      tpu.wait_dma2 semaphore(%run_scoped3A : memref<!tpu.dma_semaphore, #tpu.memory_space<semaphore_mem>>) src(%dma_wait3A_490 : memref<1024xi32, #tpu.memory_space<hbm>>) dst(%arg5 : memref<1024xi32, #tpu.memory_space<vmem>>)
      tpu.yield
    }) : () -> ()
    %dma_start3A = arith.constant 0 : i32
    %dma_start3A_33 = arith.constant 0 : i32
    %dma_start3A_34 = arith.constant 0 : i32
    %dma_start3A_35 = tpu.memref_slice %arg6[%dma_start3A_33, %dma_start3A_34] : memref<64x1024xf32, #tpu.memory_space<vmem>> -> memref<8x1024xf32, #tpu.memory_space<vmem>>
    %dma_start3A_36 = arith.constant 0 : i32
    %dma_start3A_37 = tpu.memref_slice %arg5[%dma_start3A_36] : memref<1024xi32, #tpu.memory_space<vmem>> -> memref<8xi32, #tpu.memory_space<vmem>>
    %dma_start3A_38 = arith.constant 0 : i32
    %dma_start3A_39 = arith.constant 0 : i32
    %dma_start3A_40 = tpu.memref_slice %arg2[%dma_start3A_38, %dma_start3A_39] : memref<100000x1024xf32, #tpu.memory_space<hbm>> -> memref<100000x1024xf32, #tpu.memory_space<hbm>>
    %dma_start3A_41 = tpu.memref_slice %arg7[%dma_start3A] : memref<8x!tpu.dma_semaphore, #tpu.memory_space<semaphore_mem>> -> memref<1x!tpu.dma_semaphore, #tpu.memory_space<semaphore_mem>>
    %dma_start3A_42 = tpu.memref_squeeze %dma_start3A_41 : memref<1x!tpu.dma_semaphore, #tpu.memory_space<semaphore_mem>> -> memref<!tpu.dma_semaphore, #tpu.memory_space<semaphore_mem>>
    tpu.enqueue_indirect_dma source(%dma_start3A_40 : memref<100000x1024xf32, #tpu.memory_space<hbm>>) target(%dma_start3A_35 : memref<8x1024xf32, #tpu.memory_space<vmem>>) offsets(%dma_start3A_37 : memref<8xi32, #tpu.memory_space<vmem>>) semaphore(%dma_start3A_42 : memref<!tpu.dma_semaphore, #tpu.memory_space<semaphore_mem>>)
    %dma_start3A_43 = arith.constant 1 : i32
    %dma_start3A_44 = arith.constant 8 : i32
    %dma_start3A_45 = arith.constant 0 : i32
    %dma_start3A_46 = tpu.memref_slice %arg6[%dma_start3A_44, %dma_start3A_45] : memref<64x1024xf32, #tpu.memory_space<vmem>> -> memref<8x1024xf32, #tpu.memory_space<vmem>>
    %dma_start3A_47 = arith.constant 8 : i32
    %dma_start3A_48 = tpu.memref_slice %arg5[%dma_start3A_47] : memref<1024xi32, #tpu.memory_space<vmem>> -> memref<8xi32, #tpu.memory_space<vmem>>
    %dma_start3A_49 = arith.constant 0 : i32
    %dma_start3A_50 = arith.constant 0 : i32
    %dma_start3A_51 = tpu.memref_slice %arg2[%dma_start3A_49, %dma_start3A_50] : memref<100000x1024xf32, #tpu.memory_space<hbm>> -> memref<100000x1024xf32, #tpu.memory_space<hbm>>
    %dma_start3A_52 = tpu.memref_slice %arg7[%dma_start3A_43] : memref<8x!tpu.dma_semaphore, #tpu.memory_space<semaphore_mem>> -> memref<1x!tpu.dma_semaphore, #tpu.memory_space<semaphore_mem>>
    %dma_start3A_53 = tpu.memref_squeeze %dma_start3A_52 : memref<1x!tpu.dma_semaphore, #tpu.memory_space<semaphore_mem>> -> memref<!tpu.dma_semaphore, #tpu.memory_space<semaphore_mem>>
    tpu.enqueue_indirect_dma source(%dma_start3A_51 : memref<100000x1024xf32, #tpu.memory_space<hbm>>) target(%dma_start3A_46 : memref<8x1024xf32, #tpu.memory_space<vmem>>) offsets(%dma_start3A_48 : memref<8xi32, #tpu.memory_space<vmem>>) semaphore(%dma_start3A_53 : memref<!tpu.dma_semaphore, #tpu.memory_space<semaphore_mem>>)
    %dma_start3A_54 = arith.constant 2 : i32
    %dma_start3A_55 = arith.constant 16 : i32
    %dma_start3A_56 = arith.constant 0 : i32
    %dma_start3A_57 = tpu.memref_slice %arg6[%dma_start3A_55, %dma_start3A_56] : memref<64x1024xf32, #tpu.memory_space<vmem>> -> memref<8x1024xf32, #tpu.memory_space<vmem>>
    %dma_start3A_58 = arith.constant 16 : i32
    %dma_start3A_59 = tpu.memref_slice %arg5[%dma_start3A_58] : memref<1024xi32, #tpu.memory_space<vmem>> -> memref<8xi32, #tpu.memory_space<vmem>>
    %dma_start3A_60 = arith.constant 0 : i32
    %dma_start3A_61 = arith.constant 0 : i32
    %dma_start3A_62 = tpu.memref_slice %arg2[%dma_start3A_60, %dma_start3A_61] : memref<100000x1024xf32, #tpu.memory_space<hbm>> -> memref<100000x1024xf32, #tpu.memory_space<hbm>>
    %dma_start3A_63 = tpu.memref_slice %arg7[%dma_start3A_54] : memref<8x!tpu.dma_semaphore, #tpu.memory_space<semaphore_mem>> -> memref<1x!tpu.dma_semaphore, #tpu.memory_space<semaphore_mem>>
    %dma_start3A_64 = tpu.memref_squeeze %dma_start3A_63 : memref<1x!tpu.dma_semaphore, #tpu.memory_space<semaphore_mem>> -> memref<!tpu.dma_semaphore, #tpu.memory_space<semaphore_mem>>
    tpu.enqueue_indirect_dma source(%dma_start3A_62 : memref<100000x1024xf32, #tpu.memory_space<hbm>>) target(%dma_start3A_57 : memref<8x1024xf32, #tpu.memory_space<vmem>>) offsets(%dma_start3A_59 : memref<8xi32, #tpu.memory_space<vmem>>) semaphore(%dma_start3A_64 : memref<!tpu.dma_semaphore, #tpu.memory_space<semaphore_mem>>)
    %dma_start3A_65 = arith.constant 3 : i32
    %dma_start3A_66 = arith.constant 24 : i32
    %dma_start3A_67 = arith.constant 0 : i32
    %dma_start3A_68 = tpu.memref_slice %arg6[%dma_start3A_66, %dma_start3A_67] : memref<64x1024xf32, #tpu.memory_space<vmem>> -> memref<8x1024xf32, #tpu.memory_space<vmem>>
    %dma_start3A_69 = arith.constant 24 : i32
    %dma_start3A_70 = tpu.memref_slice %arg5[%dma_start3A_69] : memref<1024xi32, #tpu.memory_space<vmem>> -> memref<8xi32, #tpu.memory_space<vmem>>
    %dma_start3A_71 = arith.constant 0 : i32
    %dma_start3A_72 = arith.constant 0 : i32
    %dma_start3A_73 = tpu.memref_slice %arg2[%dma_start3A_71, %dma_start3A_72] : memref<100000x1024xf32, #tpu.memory_space<hbm>> -> memref<100000x1024xf32, #tpu.memory_space<hbm>>
    %dma_start3A_74 = tpu.memref_slice %arg7[%dma_start3A_65] : memref<8x!tpu.dma_semaphore, #tpu.memory_space<semaphore_mem>> -> memref<1x!tpu.dma_semaphore, #tpu.memory_space<semaphore_mem>>
    %dma_start3A_75 = tpu.memref_squeeze %dma_start3A_74 : memref<1x!tpu.dma_semaphore, #tpu.memory_space<semaphore_mem>> -> memref<!tpu.dma_semaphore, #tpu.memory_space<semaphore_mem>>
    tpu.enqueue_indirect_dma source(%dma_start3A_73 : memref<100000x1024xf32, #tpu.memory_space<hbm>>) target(%dma_start3A_68 : memref<8x1024xf32, #tpu.memory_space<vmem>>) offsets(%dma_start3A_70 : memref<8xi32, #tpu.memory_space<vmem>>) semaphore(%dma_start3A_75 : memref<!tpu.dma_semaphore, #tpu.memory_space<semaphore_mem>>)
    %dma_start3A_76 = arith.constant 4 : i32
    %dma_start3A_77 = arith.constant 32 : i32
    %dma_start3A_78 = arith.constant 0 : i32
    %dma_start3A_79 = tpu.memref_slice %arg6[%dma_start3A_77, %dma_start3A_78] : memref<64x1024xf32, #tpu.memory_space<vmem>> -> memref<8x1024xf32, #tpu.memory_space<vmem>>
    %dma_start3A_80 = arith.constant 32 : i32
    %dma_start3A_81 = tpu.memref_slice %arg5[%dma_start3A_80] : memref<1024xi32, #tpu.memory_space<vmem>> -> memref<8xi32, #tpu.memory_space<vmem>>
    %dma_start3A_82 = arith.constant 0 : i32
    %dma_start3A_83 = arith.constant 0 : i32
    %dma_start3A_84 = tpu.memref_slice %arg2[%dma_start3A_82, %dma_start3A_83] : memref<100000x1024xf32, #tpu.memory_space<hbm>> -> memref<100000x1024xf32, #tpu.memory_space<hbm>>
    %dma_start3A_85 = tpu.memref_slice %arg7[%dma_start3A_76] : memref<8x!tpu.dma_semaphore, #tpu.memory_space<semaphore_mem>> -> memref<1x!tpu.dma_semaphore, #tpu.memory_space<semaphore_mem>>
    %dma_start3A_86 = tpu.memref_squeeze %dma_start3A_85 : memref<1x!tpu.dma_semaphore, #tpu.memory_space<semaphore_mem>> -> memref<!tpu.dma_semaphore, #tpu.memory_space<semaphore_mem>>
    tpu.enqueue_indirect_dma source(%dma_start3A_84 : memref<100000x1024xf32, #tpu.memory_space<hbm>>) target(%dma_start3A_79 : memref<8x1024xf32, #tpu.memory_space<vmem>>) offsets(%dma_start3A_81 : memref<8xi32, #tpu.memory_space<vmem>>) semaphore(%dma_start3A_86 : memref<!tpu.dma_semaphore, #tpu.memory_space<semaphore_mem>>)
    %dma_start3A_87 = arith.constant 5 : i32
    %dma_start3A_88 = arith.constant 40 : i32
    %dma_start3A_89 = arith.constant 0 : i32
    %dma_start3A_90 = tpu.memref_slice %arg6[%dma_start3A_88, %dma_start3A_89] : memref<64x1024xf32, #tpu.memory_space<vmem>> -> memref<8x1024xf32, #tpu.memory_space<vmem>>
    %dma_start3A_91 = arith.constant 40 : i32
    %dma_start3A_92 = tpu.memref_slice %arg5[%dma_start3A_91] : memref<1024xi32, #tpu.memory_space<vmem>> -> memref<8xi32, #tpu.memory_space<vmem>>
    %dma_start3A_93 = arith.constant 0 : i32
    %dma_start3A_94 = arith.constant 0 : i32
    %dma_start3A_95 = tpu.memref_slice %arg2[%dma_start3A_93, %dma_start3A_94] : memref<100000x1024xf32, #tpu.memory_space<hbm>> -> memref<100000x1024xf32, #tpu.memory_space<hbm>>
    %dma_start3A_96 = tpu.memref_slice %arg7[%dma_start3A_87] : memref<8x!tpu.dma_semaphore, #tpu.memory_space<semaphore_mem>> -> memref<1x!tpu.dma_semaphore, #tpu.memory_space<semaphore_mem>>
    %dma_start3A_97 = tpu.memref_squeeze %dma_start3A_96 : memref<1x!tpu.dma_semaphore, #tpu.memory_space<semaphore_mem>> -> memref<!tpu.dma_semaphore, #tpu.memory_space<semaphore_mem>>
    tpu.enqueue_indirect_dma source(%dma_start3A_95 : memref<100000x1024xf32, #tpu.memory_space<hbm>>) target(%dma_start3A_90 : memref<8x1024xf32, #tpu.memory_space<vmem>>) offsets(%dma_start3A_92 : memref<8xi32, #tpu.memory_space<vmem>>) semaphore(%dma_start3A_97 : memref<!tpu.dma_semaphore, #tpu.memory_space<semaphore_mem>>)
    %dma_start3A_98 = arith.constant 6 : i32
    %dma_start3A_99 = arith.constant 48 : i32
    %dma_start3A_100 = arith.constant 0 : i32
    %dma_start3A_101 = tpu.memref_slice %arg6[%dma_start3A_99, %dma_start3A_100] : memref<64x1024xf32, #tpu.memory_space<vmem>> -> memref<8x1024xf32, #tpu.memory_space<vmem>>
    %dma_start3A_102 = arith.constant 48 : i32
    %dma_start3A_103 = tpu.memref_slice %arg5[%dma_start3A_102] : memref<1024xi32, #tpu.memory_space<vmem>> -> memref<8xi32, #tpu.memory_space<vmem>>
    %dma_start3A_104 = arith.constant 0 : i32
    %dma_start3A_105 = arith.constant 0 : i32
    %dma_start3A_106 = tpu.memref_slice %arg2[%dma_start3A_104, %dma_start3A_105] : memref<100000x1024xf32, #tpu.memory_space<hbm>> -> memref<100000x1024xf32, #tpu.memory_space<hbm>>
    %dma_start3A_107 = tpu.memref_slice %arg7[%dma_start3A_98] : memref<8x!tpu.dma_semaphore, #tpu.memory_space<semaphore_mem>> -> memref<1x!tpu.dma_semaphore, #tpu.memory_space<semaphore_mem>>
    %dma_start3A_108 = tpu.memref_squeeze %dma_start3A_107 : memref<1x!tpu.dma_semaphore, #tpu.memory_space<semaphore_mem>> -> memref<!tpu.dma_semaphore, #tpu.memory_space<semaphore_mem>>
    tpu.enqueue_indirect_dma source(%dma_start3A_106 : memref<100000x1024xf32, #tpu.memory_space<hbm>>) target(%dma_start3A_101 : memref<8x1024xf32, #tpu.memory_space<vmem>>) offsets(%dma_start3A_103 : memref<8xi32, #tpu.memory_space<vmem>>) semaphore(%dma_start3A_108 : memref<!tpu.dma_semaphore, #tpu.memory_space<semaphore_mem>>)
    %dma_start3A_109 = arith.constant 7 : i32
    %dma_start3A_110 = arith.constant 56 : i32
    %dma_start3A_111 = arith.constant 0 : i32
    %dma_start3A_112 = tpu.memref_slice %arg6[%dma_start3A_110, %dma_start3A_111] : memref<64x1024xf32, #tpu.memory_space<vmem>> -> memref<8x1024xf32, #tpu.memory_space<vmem>>
    %dma_start3A_113 = arith.constant 56 : i32
    %dma_start3A_114 = tpu.memref_slice %arg5[%dma_start3A_113] : memref<1024xi32, #tpu.memory_space<vmem>> -> memref<8xi32, #tpu.memory_space<vmem>>
    %dma_start3A_115 = arith.constant 0 : i32
    %dma_start3A_116 = arith.constant 0 : i32
    %dma_start3A_117 = tpu.memref_slice %arg2[%dma_start3A_115, %dma_start3A_116] : memref<100000x1024xf32, #tpu.memory_space<hbm>> -> memref<100000x1024xf32, #tpu.memory_space<hbm>>
    %dma_start3A_118 = tpu.memref_slice %arg7[%dma_start3A_109] : memref<8x!tpu.dma_semaphore, #tpu.memory_space<semaphore_mem>> -> memref<1x!tpu.dma_semaphore, #tpu.memory_space<semaphore_mem>>
    %dma_start3A_119 = tpu.memref_squeeze %dma_start3A_118 : memref<1x!tpu.dma_semaphore, #tpu.memory_space<semaphore_mem>> -> memref<!tpu.dma_semaphore, #tpu.memory_space<semaphore_mem>>
    tpu.enqueue_indirect_dma source(%dma_start3A_117 : memref<100000x1024xf32, #tpu.memory_space<hbm>>) target(%dma_start3A_112 : memref<8x1024xf32, #tpu.memory_space<vmem>>) offsets(%dma_start3A_114 : memref<8xi32, #tpu.memory_space<vmem>>) semaphore(%dma_start3A_119 : memref<!tpu.dma_semaphore, #tpu.memory_space<semaphore_mem>>)
    %scan3A = arith.constant 0 : i32
    %scan3A_120 = arith.constant 15 : i32
    %scan3A_121 = arith.addi %scan3A, %scan3A_120 : i32
    %scan3A_122 = arith.constant 1 : i32
    scf.for %scan3A_483 = %scan3A to %scan3A_121 step %scan3A_122  : i32 {
      %mul3A_484 = arith.constant 8 : i32
      %mul3A_485 = arith.muli %scan3A_483, %mul3A_484 : i32
      %add3A_486 = arith.constant 0 : i32
      %add3A_487 = arith.addi %add3A_486, %mul3A_485 : i32
      %add3A_488 = arith.constant 0 : i32
      %add3A_489 = arith.addi %add3A_487, %add3A_488 : i32
      %mul3A_490 = arith.constant 8 : i32
      %mul3A_491 = arith.muli %add3A_489, %mul3A_490 : i32
      %dma_wait3A_492 = arith.constant 0 : i32
      %dma_wait3A_493 = arith.constant 0 : i32
      %dma_wait3A_494 = arith.constant 0 : i32
      %dma_wait3A_495 = tpu.memref_slice %arg6[%dma_wait3A_493, %dma_wait3A_494] : memref<64x1024xf32, #tpu.memory_space<vmem>> -> memref<8x1024xf32, #tpu.memory_space<vmem>>
      %dma_wait3A_496 = tpu.memref_slice %arg5[%mul3A_491] : memref<1024xi32, #tpu.memory_space<vmem>> -> memref<8xi32, #tpu.memory_space<vmem>>
      %dma_wait3A_497 = arith.constant 0 : i32
      %dma_wait3A_498 = arith.constant 0 : i32
      %dma_wait3A_499 = tpu.memref_slice %arg2[%dma_wait3A_497, %dma_wait3A_498] : memref<100000x1024xf32, #tpu.memory_space<hbm>> -> memref<100000x1024xf32, #tpu.memory_space<hbm>>
      %dma_wait3A_500 = tpu.memref_slice %arg7[%dma_wait3A_492] : memref<8x!tpu.dma_semaphore, #tpu.memory_space<semaphore_mem>> -> memref<1x!tpu.dma_semaphore, #tpu.memory_space<semaphore_mem>>
      %dma_wait3A_501 = tpu.memref_squeeze %dma_wait3A_500 : memref<1x!tpu.dma_semaphore, #tpu.memory_space<semaphore_mem>> -> memref<!tpu.dma_semaphore, #tpu.memory_space<semaphore_mem>>
      tpu.wait_indirect_dma semaphore(%dma_wait3A_501 : memref<!tpu.dma_semaphore, #tpu.memory_space<semaphore_mem>>) src(%dma_wait3A_499 : memref<100000x1024xf32, #tpu.memory_space<hbm>>) dst(%dma_wait3A_495 : memref<8x1024xf32, #tpu.memory_space<vmem>>)
      %add3A_502 = arith.constant 0 : i32
      %add3A_503 = arith.addi %add3A_487, %add3A_502 : i32
      %add3A_504 = arith.constant 1 : i32
      %add3A_505 = arith.addi %add3A_503, %add3A_504 : i32
      %mul3A_506 = arith.constant 8 : i32
      %mul3A_507 = arith.muli %add3A_505, %mul3A_506 : i32
      %dma_wait3A_508 = arith.constant 1 : i32
      %dma_wait3A_509 = arith.constant 8 : i32
      %dma_wait3A_510 = arith.constant 0 : i32
      %dma_wait3A_511 = tpu.memref_slice %arg6[%dma_wait3A_509, %dma_wait3A_510] : memref<64x1024xf32, #tpu.memory_space<vmem>> -> memref<8x1024xf32, #tpu.memory_space<vmem>>
      %dma_wait3A_512 = tpu.memref_slice %arg5[%mul3A_507] : memref<1024xi32, #tpu.memory_space<vmem>> -> memref<8xi32, #tpu.memory_space<vmem>>
      %dma_wait3A_513 = arith.constant 0 : i32
      %dma_wait3A_514 = arith.constant 0 : i32
      %dma_wait3A_515 = tpu.memref_slice %arg2[%dma_wait3A_513, %dma_wait3A_514] : memref<100000x1024xf32, #tpu.memory_space<hbm>> -> memref<100000x1024xf32, #tpu.memory_space<hbm>>
      %dma_wait3A_516 = tpu.memref_slice %arg7[%dma_wait3A_508] : memref<8x!tpu.dma_semaphore, #tpu.memory_space<semaphore_mem>> -> memref<1x!tpu.dma_semaphore, #tpu.memory_space<semaphore_mem>>
      %dma_wait3A_517 = tpu.memref_squeeze %dma_wait3A_516 : memref<1x!tpu.dma_semaphore, #tpu.memory_space<semaphore_mem>> -> memref<!tpu.dma_semaphore, #tpu.memory_space<semaphore_mem>>
      tpu.wait_indirect_dma semaphore(%dma_wait3A_517 : memref<!tpu.dma_semaphore, #tpu.memory_space<semaphore_mem>>) src(%dma_wait3A_515 : memref<100000x1024xf32, #tpu.memory_space<hbm>>) dst(%dma_wait3A_511 : memref<8x1024xf32, #tpu.memory_space<vmem>>)
      %add3A_518 = arith.constant 0 : i32
      %add3A_519 = arith.addi %add3A_487, %add3A_518 : i32
      %mul3A_520 = arith.constant 8 : i32
      %mul3A_521 = arith.muli %add3A_519, %mul3A_520 : i32
      %add3A_522 = arith.addi %mul3A_32, %mul3A_521 : i32
      %dma_start3A_523 = arith.constant 0 : i32
      %dma_start3A_524 = arith.constant 0 : i32
      %dma_start3A_525 = arith.constant 0 : i32
      %dma_start3A_526 = tpu.memref_slice %arg6[%dma_start3A_524, %dma_start3A_525] : memref<64x1024xf32, #tpu.memory_space<vmem>> -> memref<16x1024xf32, #tpu.memory_space<vmem>>
      %dma_start3A_527 = arith.constant 0 : i32
      %dma_start3A_528 = tpu.memref_slice %arg4[%select_n3A, %add3A_522, %dma_start3A_527] : memref<4x8192x1024xf32, #tpu.memory_space<hbm>> -> memref<1x16x1024xf32, #tpu.memory_space<hbm>>
      %dma_start3A_529 = tpu.memref_squeeze %dma_start3A_528 : memref<1x16x1024xf32, #tpu.memory_space<hbm>> -> memref<16x1024xf32, #tpu.memory_space<hbm>>
      %dma_start3A_530 = tpu.memref_slice %arg8[%dma_start3A_523] : memref<8x!tpu.dma_semaphore, #tpu.memory_space<semaphore_mem>> -> memref<1x!tpu.dma_semaphore, #tpu.memory_space<semaphore_mem>>
      %dma_start3A_531 = tpu.memref_squeeze %dma_start3A_530 : memref<1x!tpu.dma_semaphore, #tpu.memory_space<semaphore_mem>> -> memref<!tpu.dma_semaphore, #tpu.memory_space<semaphore_mem>>
      %dma_start3A_532 = arith.constant 0 : i32
      %dma_start3A_533 = tpu.memref_slice %arg4[%select_n3A, %add3A_522, %dma_start3A_532] : memref<4x8192x1024xf32, #tpu.memory_space<hbm>> -> memref<1x16x1024xf32, #tpu.memory_space<hbm>>
      %dma_start3A_534 = tpu.memref_squeeze %dma_start3A_533 : memref<1x16x1024xf32, #tpu.memory_space<hbm>> -> memref<16x1024xf32, #tpu.memory_space<hbm>>
      %dma_start3A_535 = arith.constant 0 : i32
      %dma_start3A_536 = arith.constant 0 : i32
      %dma_start3A_537 = tpu.memref_slice %arg6[%dma_start3A_535, %dma_start3A_536] : memref<64x1024xf32, #tpu.memory_space<vmem>> -> memref<16x1024xf32, #tpu.memory_space<vmem>>
      tpu.enqueue_dma source(%dma_start3A_537 : memref<16x1024xf32, #tpu.memory_space<vmem>>) target(%dma_start3A_534 : memref<16x1024xf32, #tpu.memory_space<hbm>>) target_semaphore(%dma_start3A_531 : memref<!tpu.dma_semaphore, #tpu.memory_space<semaphore_mem>>)
      %add3A_538 = arith.constant 2 : i32
      %add3A_539 = arith.addi %add3A_487, %add3A_538 : i32
      %mul3A_540 = arith.constant 8 : i32
      %mul3A_541 = arith.muli %add3A_539, %mul3A_540 : i32
      %dma_wait3A_542 = arith.constant 2 : i32
      %dma_wait3A_543 = arith.constant 16 : i32
      %dma_wait3A_544 = arith.constant 0 : i32
      %dma_wait3A_545 = tpu.memref_slice %arg6[%dma_wait3A_543, %dma_wait3A_544] : memref<64x1024xf32, #tpu.memory_space<vmem>> -> memref<8x1024xf32, #tpu.memory_space<vmem>>
      %dma_wait3A_546 = tpu.memref_slice %arg5[%mul3A_541] : memref<1024xi32, #tpu.memory_space<vmem>> -> memref<8xi32, #tpu.memory_space<vmem>>
      %dma_wait3A_547 = arith.constant 0 : i32
      %dma_wait3A_548 = arith.constant 0 : i32
      %dma_wait3A_549 = tpu.memref_slice %arg2[%dma_wait3A_547, %dma_wait3A_548] : memref<100000x1024xf32, #tpu.memory_space<hbm>> -> memref<100000x1024xf32, #tpu.memory_space<hbm>>
      %dma_wait3A_550 = tpu.memref_slice %arg7[%dma_wait3A_542] : memref<8x!tpu.dma_semaphore, #tpu.memory_space<semaphore_mem>> -> memref<1x!tpu.dma_semaphore, #tpu.memory_space<semaphore_mem>>
      %dma_wait3A_551 = tpu.memref_squeeze %dma_wait3A_550 : memref<1x!tpu.dma_semaphore, #tpu.memory_space<semaphore_mem>> -> memref<!tpu.dma_semaphore, #tpu.memory_space<semaphore_mem>>
      tpu.wait_indirect_dma semaphore(%dma_wait3A_551 : memref<!tpu.dma_semaphore, #tpu.memory_space<semaphore_mem>>) src(%dma_wait3A_549 : memref<100000x1024xf32, #tpu.memory_space<hbm>>) dst(%dma_wait3A_545 : memref<8x1024xf32, #tpu.memory_space<vmem>>)
      %add3A_552 = arith.constant 2 : i32
      %add3A_553 = arith.addi %add3A_487, %add3A_552 : i32
      %add3A_554 = arith.constant 1 : i32
      %add3A_555 = arith.addi %add3A_553, %add3A_554 : i32
      %mul3A_556 = arith.constant 8 : i32
      %mul3A_557 = arith.muli %add3A_555, %mul3A_556 : i32
      %dma_wait3A_558 = arith.constant 3 : i32
      %dma_wait3A_559 = arith.constant 24 : i32
      %dma_wait3A_560 = arith.constant 0 : i32
      %dma_wait3A_561 = tpu.memref_slice %arg6[%dma_wait3A_559, %dma_wait3A_560] : memref<64x1024xf32, #tpu.memory_space<vmem>> -> memref<8x1024xf32, #tpu.memory_space<vmem>>
      %dma_wait3A_562 = tpu.memref_slice %arg5[%mul3A_557] : memref<1024xi32, #tpu.memory_space<vmem>> -> memref<8xi32, #tpu.memory_space<vmem>>
      %dma_wait3A_563 = arith.constant 0 : i32
      %dma_wait3A_564 = arith.constant 0 : i32
      %dma_wait3A_565 = tpu.memref_slice %arg2[%dma_wait3A_563, %dma_wait3A_564] : memref<100000x1024xf32, #tpu.memory_space<hbm>> -> memref<100000x1024xf32, #tpu.memory_space<hbm>>
      %dma_wait3A_566 = tpu.memref_slice %arg7[%dma_wait3A_558] : memref<8x!tpu.dma_semaphore, #tpu.memory_space<semaphore_mem>> -> memref<1x!tpu.dma_semaphore, #tpu.memory_space<semaphore_mem>>
      %dma_wait3A_567 = tpu.memref_squeeze %dma_wait3A_566 : memref<1x!tpu.dma_semaphore, #tpu.memory_space<semaphore_mem>> -> memref<!tpu.dma_semaphore, #tpu.memory_space<semaphore_mem>>
      tpu.wait_indirect_dma semaphore(%dma_wait3A_567 : memref<!tpu.dma_semaphore, #tpu.memory_space<semaphore_mem>>) src(%dma_wait3A_565 : memref<100000x1024xf32, #tpu.memory_space<hbm>>) dst(%dma_wait3A_561 : memref<8x1024xf32, #tpu.memory_space<vmem>>)
      %add3A_568 = arith.constant 2 : i32
      %add3A_569 = arith.addi %add3A_487, %add3A_568 : i32
      %mul3A_570 = arith.constant 8 : i32
      %mul3A_571 = arith.muli %add3A_569, %mul3A_570 : i32
      %add3A_572 = arith.addi %mul3A_32, %mul3A_571 : i32
      %dma_start3A_573 = arith.constant 2 : i32
      %dma_start3A_574 = arith.constant 16 : i32
      %dma_start3A_575 = arith.constant 0 : i32
      %dma_start3A_576 = tpu.memref_slice %arg6[%dma_start3A_574, %dma_start3A_575] : memref<64x1024xf32, #tpu.memory_space<vmem>> -> memref<16x1024xf32, #tpu.memory_space<vmem>>
      %dma_start3A_577 = arith.constant 0 : i32
      %dma_start3A_578 = tpu.memref_slice %arg4[%select_n3A, %add3A_572, %dma_start3A_577] : memref<4x8192x1024xf32, #tpu.memory_space<hbm>> -> memref<1x16x1024xf32, #tpu.memory_space<hbm>>
      %dma_start3A_579 = tpu.memref_squeeze %dma_start3A_578 : memref<1x16x1024xf32, #tpu.memory_space<hbm>> -> memref<16x1024xf32, #tpu.memory_space<hbm>>
      %dma_start3A_580 = tpu.memref_slice %arg8[%dma_start3A_573] : memref<8x!tpu.dma_semaphore, #tpu.memory_space<semaphore_mem>> -> memref<1x!tpu.dma_semaphore, #tpu.memory_space<semaphore_mem>>
      %dma_start3A_581 = tpu.memref_squeeze %dma_start3A_580 : memref<1x!tpu.dma_semaphore, #tpu.memory_space<semaphore_mem>> -> memref<!tpu.dma_semaphore, #tpu.memory_space<semaphore_mem>>
      %dma_start3A_582 = arith.constant 0 : i32
      %dma_start3A_583 = tpu.memref_slice %arg4[%select_n3A, %add3A_572, %dma_start3A_582] : memref<4x8192x1024xf32, #tpu.memory_space<hbm>> -> memref<1x16x1024xf32, #tpu.memory_space<hbm>>
      %dma_start3A_584 = tpu.memref_squeeze %dma_start3A_583 : memref<1x16x1024xf32, #tpu.memory_space<hbm>> -> memref<16x1024xf32, #tpu.memory_space<hbm>>
      %dma_start3A_585 = arith.constant 16 : i32
      %dma_start3A_586 = arith.constant 0 : i32
      %dma_start3A_587 = tpu.memref_slice %arg6[%dma_start3A_585, %dma_start3A_586] : memref<64x1024xf32, #tpu.memory_space<vmem>> -> memref<16x1024xf32, #tpu.memory_space<vmem>>
      tpu.enqueue_dma source(%dma_start3A_587 : memref<16x1024xf32, #tpu.memory_space<vmem>>) target(%dma_start3A_584 : memref<16x1024xf32, #tpu.memory_space<hbm>>) target_semaphore(%dma_start3A_581 : memref<!tpu.dma_semaphore, #tpu.memory_space<semaphore_mem>>)
      %add3A_588 = arith.constant 4 : i32
      %add3A_589 = arith.addi %add3A_487, %add3A_588 : i32
      %mul3A_590 = arith.constant 8 : i32
      %mul3A_591 = arith.muli %add3A_589, %mul3A_590 : i32
      %dma_wait3A_592 = arith.constant 4 : i32
      %dma_wait3A_593 = arith.constant 32 : i32
      %dma_wait3A_594 = arith.constant 0 : i32
      %dma_wait3A_595 = tpu.memref_slice %arg6[%dma_wait3A_593, %dma_wait3A_594] : memref<64x1024xf32, #tpu.memory_space<vmem>> -> memref<8x1024xf32, #tpu.memory_space<vmem>>
      %dma_wait3A_596 = tpu.memref_slice %arg5[%mul3A_591] : memref<1024xi32, #tpu.memory_space<vmem>> -> memref<8xi32, #tpu.memory_space<vmem>>
      %dma_wait3A_597 = arith.constant 0 : i32
      %dma_wait3A_598 = arith.constant 0 : i32
      %dma_wait3A_599 = tpu.memref_slice %arg2[%dma_wait3A_597, %dma_wait3A_598] : memref<100000x1024xf32, #tpu.memory_space<hbm>> -> memref<100000x1024xf32, #tpu.memory_space<hbm>>
      %dma_wait3A_600 = tpu.memref_slice %arg7[%dma_wait3A_592] : memref<8x!tpu.dma_semaphore, #tpu.memory_space<semaphore_mem>> -> memref<1x!tpu.dma_semaphore, #tpu.memory_space<semaphore_mem>>
      %dma_wait3A_601 = tpu.memref_squeeze %dma_wait3A_600 : memref<1x!tpu.dma_semaphore, #tpu.memory_space<semaphore_mem>> -> memref<!tpu.dma_semaphore, #tpu.memory_space<semaphore_mem>>
      tpu.wait_indirect_dma semaphore(%dma_wait3A_601 : memref<!tpu.dma_semaphore, #tpu.memory_space<semaphore_mem>>) src(%dma_wait3A_599 : memref<100000x1024xf32, #tpu.memory_space<hbm>>) dst(%dma_wait3A_595 : memref<8x1024xf32, #tpu.memory_space<vmem>>)
      %add3A_602 = arith.constant 4 : i32
      %add3A_603 = arith.addi %add3A_487, %add3A_602 : i32
      %add3A_604 = arith.constant 1 : i32
      %add3A_605 = arith.addi %add3A_603, %add3A_604 : i32
      %mul3A_606 = arith.constant 8 : i32
      %mul3A_607 = arith.muli %add3A_605, %mul3A_606 : i32
      %dma_wait3A_608 = arith.constant 5 : i32
      %dma_wait3A_609 = arith.constant 40 : i32
      %dma_wait3A_610 = arith.constant 0 : i32
      %dma_wait3A_611 = tpu.memref_slice %arg6[%dma_wait3A_609, %dma_wait3A_610] : memref<64x1024xf32, #tpu.memory_space<vmem>> -> memref<8x1024xf32, #tpu.memory_space<vmem>>
      %dma_wait3A_612 = tpu.memref_slice %arg5[%mul3A_607] : memref<1024xi32, #tpu.memory_space<vmem>> -> memref<8xi32, #tpu.memory_space<vmem>>
      %dma_wait3A_613 = arith.constant 0 : i32
      %dma_wait3A_614 = arith.constant 0 : i32
      %dma_wait3A_615 = tpu.memref_slice %arg2[%dma_wait3A_613, %dma_wait3A_614] : memref<100000x1024xf32, #tpu.memory_space<hbm>> -> memref<100000x1024xf32, #tpu.memory_space<hbm>>
      %dma_wait3A_616 = tpu.memref_slice %arg7[%dma_wait3A_608] : memref<8x!tpu.dma_semaphore, #tpu.memory_space<semaphore_mem>> -> memref<1x!tpu.dma_semaphore, #tpu.memory_space<semaphore_mem>>
      %dma_wait3A_617 = tpu.memref_squeeze %dma_wait3A_616 : memref<1x!tpu.dma_semaphore, #tpu.memory_space<semaphore_mem>> -> memref<!tpu.dma_semaphore, #tpu.memory_space<semaphore_mem>>
      tpu.wait_indirect_dma semaphore(%dma_wait3A_617 : memref<!tpu.dma_semaphore, #tpu.memory_space<semaphore_mem>>) src(%dma_wait3A_615 : memref<100000x1024xf32, #tpu.memory_space<hbm>>) dst(%dma_wait3A_611 : memref<8x1024xf32, #tpu.memory_space<vmem>>)
      %add3A_618 = arith.constant 4 : i32
      %add3A_619 = arith.addi %add3A_487, %add3A_618 : i32
      %mul3A_620 = arith.constant 8 : i32
      %mul3A_621 = arith.muli %add3A_619, %mul3A_620 : i32
      %add3A_622 = arith.addi %mul3A_32, %mul3A_621 : i32
      %dma_start3A_623 = arith.constant 4 : i32
      %dma_start3A_624 = arith.constant 32 : i32
      %dma_start3A_625 = arith.constant 0 : i32
      %dma_start3A_626 = tpu.memref_slice %arg6[%dma_start3A_624, %dma_start3A_625] : memref<64x1024xf32, #tpu.memory_space<vmem>> -> memref<16x1024xf32, #tpu.memory_space<vmem>>
      %dma_start3A_627 = arith.constant 0 : i32
      %dma_start3A_628 = tpu.memref_slice %arg4[%select_n3A, %add3A_622, %dma_start3A_627] : memref<4x8192x1024xf32, #tpu.memory_space<hbm>> -> memref<1x16x1024xf32, #tpu.memory_space<hbm>>
      %dma_start3A_629 = tpu.memref_squeeze %dma_start3A_628 : memref<1x16x1024xf32, #tpu.memory_space<hbm>> -> memref<16x1024xf32, #tpu.memory_space<hbm>>
      %dma_start3A_630 = tpu.memref_slice %arg8[%dma_start3A_623] : memref<8x!tpu.dma_semaphore, #tpu.memory_space<semaphore_mem>> -> memref<1x!tpu.dma_semaphore, #tpu.memory_space<semaphore_mem>>
      %dma_start3A_631 = tpu.memref_squeeze %dma_start3A_630 : memref<1x!tpu.dma_semaphore, #tpu.memory_space<semaphore_mem>> -> memref<!tpu.dma_semaphore, #tpu.memory_space<semaphore_mem>>
      %dma_start3A_632 = arith.constant 0 : i32
      %dma_start3A_633 = tpu.memref_slice %arg4[%select_n3A, %add3A_622, %dma_start3A_632] : memref<4x8192x1024xf32, #tpu.memory_space<hbm>> -> memref<1x16x1024xf32, #tpu.memory_space<hbm>>
      %dma_start3A_634 = tpu.memref_squeeze %dma_start3A_633 : memref<1x16x1024xf32, #tpu.memory_space<hbm>> -> memref<16x1024xf32, #tpu.memory_space<hbm>>
      %dma_start3A_635 = arith.constant 32 : i32
      %dma_start3A_636 = arith.constant 0 : i32
      %dma_start3A_637 = tpu.memref_slice %arg6[%dma_start3A_635, %dma_start3A_636] : memref<64x1024xf32, #tpu.memory_space<vmem>> -> memref<16x1024xf32, #tpu.memory_space<vmem>>
      tpu.enqueue_dma source(%dma_start3A_637 : memref<16x1024xf32, #tpu.memory_space<vmem>>) target(%dma_start3A_634 : memref<16x1024xf32, #tpu.memory_space<hbm>>) target_semaphore(%dma_start3A_631 : memref<!tpu.dma_semaphore, #tpu.memory_space<semaphore_mem>>)
      %add3A_638 = arith.constant 6 : i32
      %add3A_639 = arith.addi %add3A_487, %add3A_638 : i32
      %mul3A_640 = arith.constant 8 : i32
      %mul3A_641 = arith.muli %add3A_639, %mul3A_640 : i32
      %dma_wait3A_642 = arith.constant 6 : i32
      %dma_wait3A_643 = arith.constant 48 : i32
      %dma_wait3A_644 = arith.constant 0 : i32
      %dma_wait3A_645 = tpu.memref_slice %arg6[%dma_wait3A_643, %dma_wait3A_644] : memref<64x1024xf32, #tpu.memory_space<vmem>> -> memref<8x1024xf32, #tpu.memory_space<vmem>>
      %dma_wait3A_646 = tpu.memref_slice %arg5[%mul3A_641] : memref<1024xi32, #tpu.memory_space<vmem>> -> memref<8xi32, #tpu.memory_space<vmem>>
      %dma_wait3A_647 = arith.constant 0 : i32
      %dma_wait3A_648 = arith.constant 0 : i32
      %dma_wait3A_649 = tpu.memref_slice %arg2[%dma_wait3A_647, %dma_wait3A_648] : memref<100000x1024xf32, #tpu.memory_space<hbm>> -> memref<100000x1024xf32, #tpu.memory_space<hbm>>
      %dma_wait3A_650 = tpu.memref_slice %arg7[%dma_wait3A_642] : memref<8x!tpu.dma_semaphore, #tpu.memory_space<semaphore_mem>> -> memref<1x!tpu.dma_semaphore, #tpu.memory_space<semaphore_mem>>
      %dma_wait3A_651 = tpu.memref_squeeze %dma_wait3A_650 : memref<1x!tpu.dma_semaphore, #tpu.memory_space<semaphore_mem>> -> memref<!tpu.dma_semaphore, #tpu.memory_space<semaphore_mem>>
      tpu.wait_indirect_dma semaphore(%dma_wait3A_651 : memref<!tpu.dma_semaphore, #tpu.memory_space<semaphore_mem>>) src(%dma_wait3A_649 : memref<100000x1024xf32, #tpu.memory_space<hbm>>) dst(%dma_wait3A_645 : memref<8x1024xf32, #tpu.memory_space<vmem>>)
      %add3A_652 = arith.constant 6 : i32
      %add3A_653 = arith.addi %add3A_487, %add3A_652 : i32
      %add3A_654 = arith.constant 1 : i32
      %add3A_655 = arith.addi %add3A_653, %add3A_654 : i32
      %mul3A_656 = arith.constant 8 : i32
      %mul3A_657 = arith.muli %add3A_655, %mul3A_656 : i32
      %dma_wait3A_658 = arith.constant 7 : i32
      %dma_wait3A_659 = arith.constant 56 : i32
      %dma_wait3A_660 = arith.constant 0 : i32
      %dma_wait3A_661 = tpu.memref_slice %arg6[%dma_wait3A_659, %dma_wait3A_660] : memref<64x1024xf32, #tpu.memory_space<vmem>> -> memref<8x1024xf32, #tpu.memory_space<vmem>>
      %dma_wait3A_662 = tpu.memref_slice %arg5[%mul3A_657] : memref<1024xi32, #tpu.memory_space<vmem>> -> memref<8xi32, #tpu.memory_space<vmem>>
      %dma_wait3A_663 = arith.constant 0 : i32
      %dma_wait3A_664 = arith.constant 0 : i32
      %dma_wait3A_665 = tpu.memref_slice %arg2[%dma_wait3A_663, %dma_wait3A_664] : memref<100000x1024xf32, #tpu.memory_space<hbm>> -> memref<100000x1024xf32, #tpu.memory_space<hbm>>
      %dma_wait3A_666 = tpu.memref_slice %arg7[%dma_wait3A_658] : memref<8x!tpu.dma_semaphore, #tpu.memory_space<semaphore_mem>> -> memref<1x!tpu.dma_semaphore, #tpu.memory_space<semaphore_mem>>
      %dma_wait3A_667 = tpu.memref_squeeze %dma_wait3A_666 : memref<1x!tpu.dma_semaphore, #tpu.memory_space<semaphore_mem>> -> memref<!tpu.dma_semaphore, #tpu.memory_space<semaphore_mem>>
      tpu.wait_indirect_dma semaphore(%dma_wait3A_667 : memref<!tpu.dma_semaphore, #tpu.memory_space<semaphore_mem>>) src(%dma_wait3A_665 : memref<100000x1024xf32, #tpu.memory_space<hbm>>) dst(%dma_wait3A_661 : memref<8x1024xf32, #tpu.memory_space<vmem>>)
      %add3A_668 = arith.constant 6 : i32
      %add3A_669 = arith.addi %add3A_487, %add3A_668 : i32
      %mul3A_670 = arith.constant 8 : i32
      %mul3A_671 = arith.muli %add3A_669, %mul3A_670 : i32
      %add3A_672 = arith.addi %mul3A_32, %mul3A_671 : i32
      %dma_start3A_673 = arith.constant 6 : i32
      %dma_start3A_674 = arith.constant 48 : i32
      %dma_start3A_675 = arith.constant 0 : i32
      %dma_start3A_676 = tpu.memref_slice %arg6[%dma_start3A_674, %dma_start3A_675] : memref<64x1024xf32, #tpu.memory_space<vmem>> -> memref<16x1024xf32, #tpu.memory_space<vmem>>
      %dma_start3A_677 = arith.constant 0 : i32
      %dma_start3A_678 = tpu.memref_slice %arg4[%select_n3A, %add3A_672, %dma_start3A_677] : memref<4x8192x1024xf32, #tpu.memory_space<hbm>> -> memref<1x16x1024xf32, #tpu.memory_space<hbm>>
      %dma_start3A_679 = tpu.memref_squeeze %dma_start3A_678 : memref<1x16x1024xf32, #tpu.memory_space<hbm>> -> memref<16x1024xf32, #tpu.memory_space<hbm>>
      %dma_start3A_680 = tpu.memref_slice %arg8[%dma_start3A_673] : memref<8x!tpu.dma_semaphore, #tpu.memory_space<semaphore_mem>> -> memref<1x!tpu.dma_semaphore, #tpu.memory_space<semaphore_mem>>
      %dma_start3A_681 = tpu.memref_squeeze %dma_start3A_680 : memref<1x!tpu.dma_semaphore, #tpu.memory_space<semaphore_mem>> -> memref<!tpu.dma_semaphore, #tpu.memory_space<semaphore_mem>>
      %dma_start3A_682 = arith.constant 0 : i32
      %dma_start3A_683 = tpu.memref_slice %arg4[%select_n3A, %add3A_672, %dma_start3A_682] : memref<4x8192x1024xf32, #tpu.memory_space<hbm>> -> memref<1x16x1024xf32, #tpu.memory_space<hbm>>
      %dma_start3A_684 = tpu.memref_squeeze %dma_start3A_683 : memref<1x16x1024xf32, #tpu.memory_space<hbm>> -> memref<16x1024xf32, #tpu.memory_space<hbm>>
      %dma_start3A_685 = arith.constant 48 : i32
      %dma_start3A_686 = arith.constant 0 : i32
      %dma_start3A_687 = tpu.memref_slice %arg6[%dma_start3A_685, %dma_start3A_686] : memref<64x1024xf32, #tpu.memory_space<vmem>> -> memref<16x1024xf32, #tpu.memory_space<vmem>>
      tpu.enqueue_dma source(%dma_start3A_687 : memref<16x1024xf32, #tpu.memory_space<vmem>>) target(%dma_start3A_684 : memref<16x1024xf32, #tpu.memory_space<hbm>>) target_semaphore(%dma_start3A_681 : memref<!tpu.dma_semaphore, #tpu.memory_space<semaphore_mem>>)
      %add3A_688 = arith.constant 0 : i32
      %add3A_689 = arith.addi %add3A_487, %add3A_688 : i32
      %mul3A_690 = arith.constant 8 : i32
      %mul3A_691 = arith.muli %add3A_689, %mul3A_690 : i32
      %add3A_692 = arith.addi %mul3A_32, %mul3A_691 : i32
      %dma_wait3A_693 = arith.constant 0 : i32
      %dma_wait3A_694 = arith.constant 0 : i32
      %dma_wait3A_695 = arith.constant 0 : i32
      %dma_wait3A_696 = tpu.memref_slice %arg6[%dma_wait3A_694, %dma_wait3A_695] : memref<64x1024xf32, #tpu.memory_space<vmem>> -> memref<16x1024xf32, #tpu.memory_space<vmem>>
      %dma_wait3A_697 = arith.constant 0 : i32
      %dma_wait3A_698 = tpu.memref_slice %arg4[%select_n3A, %add3A_692, %dma_wait3A_697] : memref<4x8192x1024xf32, #tpu.memory_space<hbm>> -> memref<1x16x1024xf32, #tpu.memory_space<hbm>>
      %dma_wait3A_699 = tpu.memref_squeeze %dma_wait3A_698 : memref<1x16x1024xf32, #tpu.memory_space<hbm>> -> memref<16x1024xf32, #tpu.memory_space<hbm>>
      %dma_wait3A_700 = tpu.memref_slice %arg8[%dma_wait3A_693] : memref<8x!tpu.dma_semaphore, #tpu.memory_space<semaphore_mem>> -> memref<1x!tpu.dma_semaphore, #tpu.memory_space<semaphore_mem>>
      %dma_wait3A_701 = tpu.memref_squeeze %dma_wait3A_700 : memref<1x!tpu.dma_semaphore, #tpu.memory_space<semaphore_mem>> -> memref<!tpu.dma_semaphore, #tpu.memory_space<semaphore_mem>>
      %dma_wait3A_702 = arith.constant 0 : i32
      %dma_wait3A_703 = tpu.memref_slice %arg4[%select_n3A, %add3A_692, %dma_wait3A_702] : memref<4x8192x1024xf32, #tpu.memory_space<hbm>> -> memref<1x16x1024xf32, #tpu.memory_space<hbm>>
      %dma_wait3A_704 = tpu.memref_squeeze %dma_wait3A_703 : memref<1x16x1024xf32, #tpu.memory_space<hbm>> -> memref<16x1024xf32, #tpu.memory_space<hbm>>
      %dma_wait3A_705 = arith.constant 0 : i32
      %dma_wait3A_706 = arith.constant 0 : i32
      %dma_wait3A_707 = tpu.memref_slice %arg6[%dma_wait3A_705, %dma_wait3A_706] : memref<64x1024xf32, #tpu.memory_space<vmem>> -> memref<16x1024xf32, #tpu.memory_space<vmem>>
      tpu.wait_dma2 semaphore(%dma_wait3A_701 : memref<!tpu.dma_semaphore, #tpu.memory_space<semaphore_mem>>) src(%dma_wait3A_707 : memref<16x1024xf32, #tpu.memory_space<vmem>>) dst(%dma_wait3A_704 : memref<16x1024xf32, #tpu.memory_space<hbm>>)
      %add3A_708 = arith.constant 0 : i32
      %add3A_709 = arith.addi %add3A_487, %add3A_708 : i32
      %add3A_710 = arith.constant 8 : i32
      %add3A_711 = arith.addi %add3A_709, %add3A_710 : i32
      %mul3A_712 = arith.constant 8 : i32
      %mul3A_713 = arith.muli %add3A_711, %mul3A_712 : i32
      %dma_start3A_714 = arith.constant 0 : i32
      %dma_start3A_715 = arith.constant 0 : i32
      %dma_start3A_716 = arith.constant 0 : i32
      %dma_start3A_717 = tpu.memref_slice %arg6[%dma_start3A_715, %dma_start3A_716] : memref<64x1024xf32, #tpu.memory_space<vmem>> -> memref<8x1024xf32, #tpu.memory_space<vmem>>
      %dma_start3A_718 = tpu.memref_slice %arg5[%mul3A_713] : memref<1024xi32, #tpu.memory_space<vmem>> -> memref<8xi32, #tpu.memory_space<vmem>>
      %dma_start3A_719 = arith.constant 0 : i32
      %dma_start3A_720 = arith.constant 0 : i32
      %dma_start3A_721 = tpu.memref_slice %arg2[%dma_start3A_719, %dma_start3A_720] : memref<100000x1024xf32, #tpu.memory_space<hbm>> -> memref<100000x1024xf32, #tpu.memory_space<hbm>>
      %dma_start3A_722 = tpu.memref_slice %arg7[%dma_start3A_714] : memref<8x!tpu.dma_semaphore, #tpu.memory_space<semaphore_mem>> -> memref<1x!tpu.dma_semaphore, #tpu.memory_space<semaphore_mem>>
      %dma_start3A_723 = tpu.memref_squeeze %dma_start3A_722 : memref<1x!tpu.dma_semaphore, #tpu.memory_space<semaphore_mem>> -> memref<!tpu.dma_semaphore, #tpu.memory_space<semaphore_mem>>
      tpu.enqueue_indirect_dma source(%dma_start3A_721 : memref<100000x1024xf32, #tpu.memory_space<hbm>>) target(%dma_start3A_717 : memref<8x1024xf32, #tpu.memory_space<vmem>>) offsets(%dma_start3A_718 : memref<8xi32, #tpu.memory_space<vmem>>) semaphore(%dma_start3A_723 : memref<!tpu.dma_semaphore, #tpu.memory_space<semaphore_mem>>)
      %add3A_724 = arith.constant 0 : i32
      %add3A_725 = arith.addi %add3A_487, %add3A_724 : i32
      %add3A_726 = arith.constant 1 : i32
      %add3A_727 = arith.addi %add3A_725, %add3A_726 : i32
      %add3A_728 = arith.constant 8 : i32
      %add3A_729 = arith.addi %add3A_727, %add3A_728 : i32
      %mul3A_730 = arith.constant 8 : i32
      %mul3A_731 = arith.muli %add3A_729, %mul3A_730 : i32
      %dma_start3A_732 = arith.constant 1 : i32
      %dma_start3A_733 = arith.constant 8 : i32
      %dma_start3A_734 = arith.constant 0 : i32
      %dma_start3A_735 = tpu.memref_slice %arg6[%dma_start3A_733, %dma_start3A_734] : memref<64x1024xf32, #tpu.memory_space<vmem>> -> memref<8x1024xf32, #tpu.memory_space<vmem>>
      %dma_start3A_736 = tpu.memref_slice %arg5[%mul3A_731] : memref<1024xi32, #tpu.memory_space<vmem>> -> memref<8xi32, #tpu.memory_space<vmem>>
      %dma_start3A_737 = arith.constant 0 : i32
      %dma_start3A_738 = arith.constant 0 : i32
      %dma_start3A_739 = tpu.memref_slice %arg2[%dma_start3A_737, %dma_start3A_738] : memref<100000x1024xf32, #tpu.memory_space<hbm>> -> memref<100000x1024xf32, #tpu.memory_space<hbm>>
      %dma_start3A_740 = tpu.memref_slice %arg7[%dma_start3A_732] : memref<8x!tpu.dma_semaphore, #tpu.memory_space<semaphore_mem>> -> memref<1x!tpu.dma_semaphore, #tpu.memory_space<semaphore_mem>>
      %dma_start3A_741 = tpu.memref_squeeze %dma_start3A_740 : memref<1x!tpu.dma_semaphore, #tpu.memory_space<semaphore_mem>> -> memref<!tpu.dma_semaphore, #tpu.memory_space<semaphore_mem>>
      tpu.enqueue_indirect_dma source(%dma_start3A_739 : memref<100000x1024xf32, #tpu.memory_space<hbm>>) target(%dma_start3A_735 : memref<8x1024xf32, #tpu.memory_space<vmem>>) offsets(%dma_start3A_736 : memref<8xi32, #tpu.memory_space<vmem>>) semaphore(%dma_start3A_741 : memref<!tpu.dma_semaphore, #tpu.memory_space<semaphore_mem>>)
      %add3A_742 = arith.constant 2 : i32
      %add3A_743 = arith.addi %add3A_487, %add3A_742 : i32
      %mul3A_744 = arith.constant 8 : i32
      %mul3A_745 = arith.muli %add3A_743, %mul3A_744 : i32
      %add3A_746 = arith.addi %mul3A_32, %mul3A_745 : i32
      %dma_wait3A_747 = arith.constant 2 : i32
      %dma_wait3A_748 = arith.constant 16 : i32
      %dma_wait3A_749 = arith.constant 0 : i32
      %dma_wait3A_750 = tpu.memref_slice %arg6[%dma_wait3A_748, %dma_wait3A_749] : memref<64x1024xf32, #tpu.memory_space<vmem>> -> memref<16x1024xf32, #tpu.memory_space<vmem>>
      %dma_wait3A_751 = arith.constant 0 : i32
      %dma_wait3A_752 = tpu.memref_slice %arg4[%select_n3A, %add3A_746, %dma_wait3A_751] : memref<4x8192x1024xf32, #tpu.memory_space<hbm>> -> memref<1x16x1024xf32, #tpu.memory_space<hbm>>
      %dma_wait3A_753 = tpu.memref_squeeze %dma_wait3A_752 : memref<1x16x1024xf32, #tpu.memory_space<hbm>> -> memref<16x1024xf32, #tpu.memory_space<hbm>>
      %dma_wait3A_754 = tpu.memref_slice %arg8[%dma_wait3A_747] : memref<8x!tpu.dma_semaphore, #tpu.memory_space<semaphore_mem>> -> memref<1x!tpu.dma_semaphore, #tpu.memory_space<semaphore_mem>>
      %dma_wait3A_755 = tpu.memref_squeeze %dma_wait3A_754 : memref<1x!tpu.dma_semaphore, #tpu.memory_space<semaphore_mem>> -> memref<!tpu.dma_semaphore, #tpu.memory_space<semaphore_mem>>
      %dma_wait3A_756 = arith.constant 0 : i32
      %dma_wait3A_757 = tpu.memref_slice %arg4[%select_n3A, %add3A_746, %dma_wait3A_756] : memref<4x8192x1024xf32, #tpu.memory_space<hbm>> -> memref<1x16x1024xf32, #tpu.memory_space<hbm>>
      %dma_wait3A_758 = tpu.memref_squeeze %dma_wait3A_757 : memref<1x16x1024xf32, #tpu.memory_space<hbm>> -> memref<16x1024xf32, #tpu.memory_space<hbm>>
      %dma_wait3A_759 = arith.constant 16 : i32
      %dma_wait3A_760 = arith.constant 0 : i32
      %dma_wait3A_761 = tpu.memref_slice %arg6[%dma_wait3A_759, %dma_wait3A_760] : memref<64x1024xf32, #tpu.memory_space<vmem>> -> memref<16x1024xf32, #tpu.memory_space<vmem>>
      tpu.wait_dma2 semaphore(%dma_wait3A_755 : memref<!tpu.dma_semaphore, #tpu.memory_space<semaphore_mem>>) src(%dma_wait3A_761 : memref<16x1024xf32, #tpu.memory_space<vmem>>) dst(%dma_wait3A_758 : memref<16x1024xf32, #tpu.memory_space<hbm>>)
      %add3A_762 = arith.constant 2 : i32
      %add3A_763 = arith.addi %add3A_487, %add3A_762 : i32
      %add3A_764 = arith.constant 8 : i32
      %add3A_765 = arith.addi %add3A_763, %add3A_764 : i32
      %mul3A_766 = arith.constant 8 : i32
      %mul3A_767 = arith.muli %add3A_765, %mul3A_766 : i32
      %dma_start3A_768 = arith.constant 2 : i32
      %dma_start3A_769 = arith.constant 16 : i32
      %dma_start3A_770 = arith.constant 0 : i32
      %dma_start3A_771 = tpu.memref_slice %arg6[%dma_start3A_769, %dma_start3A_770] : memref<64x1024xf32, #tpu.memory_space<vmem>> -> memref<8x1024xf32, #tpu.memory_space<vmem>>
      %dma_start3A_772 = tpu.memref_slice %arg5[%mul3A_767] : memref<1024xi32, #tpu.memory_space<vmem>> -> memref<8xi32, #tpu.memory_space<vmem>>
      %dma_start3A_773 = arith.constant 0 : i32
      %dma_start3A_774 = arith.constant 0 : i32
      %dma_start3A_775 = tpu.memref_slice %arg2[%dma_start3A_773, %dma_start3A_774] : memref<100000x1024xf32, #tpu.memory_space<hbm>> -> memref<100000x1024xf32, #tpu.memory_space<hbm>>
      %dma_start3A_776 = tpu.memref_slice %arg7[%dma_start3A_768] : memref<8x!tpu.dma_semaphore, #tpu.memory_space<semaphore_mem>> -> memref<1x!tpu.dma_semaphore, #tpu.memory_space<semaphore_mem>>
      %dma_start3A_777 = tpu.memref_squeeze %dma_start3A_776 : memref<1x!tpu.dma_semaphore, #tpu.memory_space<semaphore_mem>> -> memref<!tpu.dma_semaphore, #tpu.memory_space<semaphore_mem>>
      tpu.enqueue_indirect_dma source(%dma_start3A_775 : memref<100000x1024xf32, #tpu.memory_space<hbm>>) target(%dma_start3A_771 : memref<8x1024xf32, #tpu.memory_space<vmem>>) offsets(%dma_start3A_772 : memref<8xi32, #tpu.memory_space<vmem>>) semaphore(%dma_start3A_777 : memref<!tpu.dma_semaphore, #tpu.memory_space<semaphore_mem>>)
      %add3A_778 = arith.constant 2 : i32
      %add3A_779 = arith.addi %add3A_487, %add3A_778 : i32
      %add3A_780 = arith.constant 1 : i32
      %add3A_781 = arith.addi %add3A_779, %add3A_780 : i32
      %add3A_782 = arith.constant 8 : i32
      %add3A_783 = arith.addi %add3A_781, %add3A_782 : i32
      %mul3A_784 = arith.constant 8 : i32
      %mul3A_785 = arith.muli %add3A_783, %mul3A_784 : i32
      %dma_start3A_786 = arith.constant 3 : i32
      %dma_start3A_787 = arith.constant 24 : i32
      %dma_start3A_788 = arith.constant 0 : i32
      %dma_start3A_789 = tpu.memref_slice %arg6[%dma_start3A_787, %dma_start3A_788] : memref<64x1024xf32, #tpu.memory_space<vmem>> -> memref<8x1024xf32, #tpu.memory_space<vmem>>
      %dma_start3A_790 = tpu.memref_slice %arg5[%mul3A_785] : memref<1024xi32, #tpu.memory_space<vmem>> -> memref<8xi32, #tpu.memory_space<vmem>>
      %dma_start3A_791 = arith.constant 0 : i32
      %dma_start3A_792 = arith.constant 0 : i32
      %dma_start3A_793 = tpu.memref_slice %arg2[%dma_start3A_791, %dma_start3A_792] : memref<100000x1024xf32, #tpu.memory_space<hbm>> -> memref<100000x1024xf32, #tpu.memory_space<hbm>>
      %dma_start3A_794 = tpu.memref_slice %arg7[%dma_start3A_786] : memref<8x!tpu.dma_semaphore, #tpu.memory_space<semaphore_mem>> -> memref<1x!tpu.dma_semaphore, #tpu.memory_space<semaphore_mem>>
      %dma_start3A_795 = tpu.memref_squeeze %dma_start3A_794 : memref<1x!tpu.dma_semaphore, #tpu.memory_space<semaphore_mem>> -> memref<!tpu.dma_semaphore, #tpu.memory_space<semaphore_mem>>
      tpu.enqueue_indirect_dma source(%dma_start3A_793 : memref<100000x1024xf32, #tpu.memory_space<hbm>>) target(%dma_start3A_789 : memref<8x1024xf32, #tpu.memory_space<vmem>>) offsets(%dma_start3A_790 : memref<8xi32, #tpu.memory_space<vmem>>) semaphore(%dma_start3A_795 : memref<!tpu.dma_semaphore, #tpu.memory_space<semaphore_mem>>)
      %add3A_796 = arith.constant 4 : i32
      %add3A_797 = arith.addi %add3A_487, %add3A_796 : i32
      %mul3A_798 = arith.constant 8 : i32
      %mul3A_799 = arith.muli %add3A_797, %mul3A_798 : i32
      %add3A_800 = arith.addi %mul3A_32, %mul3A_799 : i32
      %dma_wait3A_801 = arith.constant 4 : i32
      %dma_wait3A_802 = arith.constant 32 : i32
      %dma_wait3A_803 = arith.constant 0 : i32
      %dma_wait3A_804 = tpu.memref_slice %arg6[%dma_wait3A_802, %dma_wait3A_803] : memref<64x1024xf32, #tpu.memory_space<vmem>> -> memref<16x1024xf32, #tpu.memory_space<vmem>>
      %dma_wait3A_805 = arith.constant 0 : i32
      %dma_wait3A_806 = tpu.memref_slice %arg4[%select_n3A, %add3A_800, %dma_wait3A_805] : memref<4x8192x1024xf32, #tpu.memory_space<hbm>> -> memref<1x16x1024xf32, #tpu.memory_space<hbm>>
      %dma_wait3A_807 = tpu.memref_squeeze %dma_wait3A_806 : memref<1x16x1024xf32, #tpu.memory_space<hbm>> -> memref<16x1024xf32, #tpu.memory_space<hbm>>
      %dma_wait3A_808 = tpu.memref_slice %arg8[%dma_wait3A_801] : memref<8x!tpu.dma_semaphore, #tpu.memory_space<semaphore_mem>> -> memref<1x!tpu.dma_semaphore, #tpu.memory_space<semaphore_mem>>
      %dma_wait3A_809 = tpu.memref_squeeze %dma_wait3A_808 : memref<1x!tpu.dma_semaphore, #tpu.memory_space<semaphore_mem>> -> memref<!tpu.dma_semaphore, #tpu.memory_space<semaphore_mem>>
      %dma_wait3A_810 = arith.constant 0 : i32
      %dma_wait3A_811 = tpu.memref_slice %arg4[%select_n3A, %add3A_800, %dma_wait3A_810] : memref<4x8192x1024xf32, #tpu.memory_space<hbm>> -> memref<1x16x1024xf32, #tpu.memory_space<hbm>>
      %dma_wait3A_812 = tpu.memref_squeeze %dma_wait3A_811 : memref<1x16x1024xf32, #tpu.memory_space<hbm>> -> memref<16x1024xf32, #tpu.memory_space<hbm>>
      %dma_wait3A_813 = arith.constant 32 : i32
      %dma_wait3A_814 = arith.constant 0 : i32
      %dma_wait3A_815 = tpu.memref_slice %arg6[%dma_wait3A_813, %dma_wait3A_814] : memref<64x1024xf32, #tpu.memory_space<vmem>> -> memref<16x1024xf32, #tpu.memory_space<vmem>>
      tpu.wait_dma2 semaphore(%dma_wait3A_809 : memref<!tpu.dma_semaphore, #tpu.memory_space<semaphore_mem>>) src(%dma_wait3A_815 : memref<16x1024xf32, #tpu.memory_space<vmem>>) dst(%dma_wait3A_812 : memref<16x1024xf32, #tpu.memory_space<hbm>>)
      %add3A_816 = arith.constant 4 : i32
      %add3A_817 = arith.addi %add3A_487, %add3A_816 : i32
      %add3A_818 = arith.constant 8 : i32
      %add3A_819 = arith.addi %add3A_817, %add3A_818 : i32
      %mul3A_820 = arith.constant 8 : i32
      %mul3A_821 = arith.muli %add3A_819, %mul3A_820 : i32
      %dma_start3A_822 = arith.constant 4 : i32
      %dma_start3A_823 = arith.constant 32 : i32
      %dma_start3A_824 = arith.constant 0 : i32
      %dma_start3A_825 = tpu.memref_slice %arg6[%dma_start3A_823, %dma_start3A_824] : memref<64x1024xf32, #tpu.memory_space<vmem>> -> memref<8x1024xf32, #tpu.memory_space<vmem>>
      %dma_start3A_826 = tpu.memref_slice %arg5[%mul3A_821] : memref<1024xi32, #tpu.memory_space<vmem>> -> memref<8xi32, #tpu.memory_space<vmem>>
      %dma_start3A_827 = arith.constant 0 : i32
      %dma_start3A_828 = arith.constant 0 : i32
      %dma_start3A_829 = tpu.memref_slice %arg2[%dma_start3A_827, %dma_start3A_828] : memref<100000x1024xf32, #tpu.memory_space<hbm>> -> memref<100000x1024xf32, #tpu.memory_space<hbm>>
      %dma_start3A_830 = tpu.memref_slice %arg7[%dma_start3A_822] : memref<8x!tpu.dma_semaphore, #tpu.memory_space<semaphore_mem>> -> memref<1x!tpu.dma_semaphore, #tpu.memory_space<semaphore_mem>>
      %dma_start3A_831 = tpu.memref_squeeze %dma_start3A_830 : memref<1x!tpu.dma_semaphore, #tpu.memory_space<semaphore_mem>> -> memref<!tpu.dma_semaphore, #tpu.memory_space<semaphore_mem>>
      tpu.enqueue_indirect_dma source(%dma_start3A_829 : memref<100000x1024xf32, #tpu.memory_space<hbm>>) target(%dma_start3A_825 : memref<8x1024xf32, #tpu.memory_space<vmem>>) offsets(%dma_start3A_826 : memref<8xi32, #tpu.memory_space<vmem>>) semaphore(%dma_start3A_831 : memref<!tpu.dma_semaphore, #tpu.memory_space<semaphore_mem>>)
      %add3A_832 = arith.constant 4 : i32
      %add3A_833 = arith.addi %add3A_487, %add3A_832 : i32
      %add3A_834 = arith.constant 1 : i32
      %add3A_835 = arith.addi %add3A_833, %add3A_834 : i32
      %add3A_836 = arith.constant 8 : i32
      %add3A_837 = arith.addi %add3A_835, %add3A_836 : i32
      %mul3A_838 = arith.constant 8 : i32
      %mul3A_839 = arith.muli %add3A_837, %mul3A_838 : i32
      %dma_start3A_840 = arith.constant 5 : i32
      %dma_start3A_841 = arith.constant 40 : i32
      %dma_start3A_842 = arith.constant 0 : i32
      %dma_start3A_843 = tpu.memref_slice %arg6[%dma_start3A_841, %dma_start3A_842] : memref<64x1024xf32, #tpu.memory_space<vmem>> -> memref<8x1024xf32, #tpu.memory_space<vmem>>
      %dma_start3A_844 = tpu.memref_slice %arg5[%mul3A_839] : memref<1024xi32, #tpu.memory_space<vmem>> -> memref<8xi32, #tpu.memory_space<vmem>>
      %dma_start3A_845 = arith.constant 0 : i32
      %dma_start3A_846 = arith.constant 0 : i32
      %dma_start3A_847 = tpu.memref_slice %arg2[%dma_start3A_845, %dma_start3A_846] : memref<100000x1024xf32, #tpu.memory_space<hbm>> -> memref<100000x1024xf32, #tpu.memory_space<hbm>>
      %dma_start3A_848 = tpu.memref_slice %arg7[%dma_start3A_840] : memref<8x!tpu.dma_semaphore, #tpu.memory_space<semaphore_mem>> -> memref<1x!tpu.dma_semaphore, #tpu.memory_space<semaphore_mem>>
      %dma_start3A_849 = tpu.memref_squeeze %dma_start3A_848 : memref<1x!tpu.dma_semaphore, #tpu.memory_space<semaphore_mem>> -> memref<!tpu.dma_semaphore, #tpu.memory_space<semaphore_mem>>
      tpu.enqueue_indirect_dma source(%dma_start3A_847 : memref<100000x1024xf32, #tpu.memory_space<hbm>>) target(%dma_start3A_843 : memref<8x1024xf32, #tpu.memory_space<vmem>>) offsets(%dma_start3A_844 : memref<8xi32, #tpu.memory_space<vmem>>) semaphore(%dma_start3A_849 : memref<!tpu.dma_semaphore, #tpu.memory_space<semaphore_mem>>)
      %add3A_850 = arith.constant 6 : i32
      %add3A_851 = arith.addi %add3A_487, %add3A_850 : i32
      %mul3A_852 = arith.constant 8 : i32
      %mul3A_853 = arith.muli %add3A_851, %mul3A_852 : i32
      %add3A_854 = arith.addi %mul3A_32, %mul3A_853 : i32
      %dma_wait3A_855 = arith.constant 6 : i32
      %dma_wait3A_856 = arith.constant 48 : i32
      %dma_wait3A_857 = arith.constant 0 : i32
      %dma_wait3A_858 = tpu.memref_slice %arg6[%dma_wait3A_856, %dma_wait3A_857] : memref<64x1024xf32, #tpu.memory_space<vmem>> -> memref<16x1024xf32, #tpu.memory_space<vmem>>
      %dma_wait3A_859 = arith.constant 0 : i32
      %dma_wait3A_860 = tpu.memref_slice %arg4[%select_n3A, %add3A_854, %dma_wait3A_859] : memref<4x8192x1024xf32, #tpu.memory_space<hbm>> -> memref<1x16x1024xf32, #tpu.memory_space<hbm>>
      %dma_wait3A_861 = tpu.memref_squeeze %dma_wait3A_860 : memref<1x16x1024xf32, #tpu.memory_space<hbm>> -> memref<16x1024xf32, #tpu.memory_space<hbm>>
      %dma_wait3A_862 = tpu.memref_slice %arg8[%dma_wait3A_855] : memref<8x!tpu.dma_semaphore, #tpu.memory_space<semaphore_mem>> -> memref<1x!tpu.dma_semaphore, #tpu.memory_space<semaphore_mem>>
      %dma_wait3A_863 = tpu.memref_squeeze %dma_wait3A_862 : memref<1x!tpu.dma_semaphore, #tpu.memory_space<semaphore_mem>> -> memref<!tpu.dma_semaphore, #tpu.memory_space<semaphore_mem>>
      %dma_wait3A_864 = arith.constant 0 : i32
      %dma_wait3A_865 = tpu.memref_slice %arg4[%select_n3A, %add3A_854, %dma_wait3A_864] : memref<4x8192x1024xf32, #tpu.memory_space<hbm>> -> memref<1x16x1024xf32, #tpu.memory_space<hbm>>
      %dma_wait3A_866 = tpu.memref_squeeze %dma_wait3A_865 : memref<1x16x1024xf32, #tpu.memory_space<hbm>> -> memref<16x1024xf32, #tpu.memory_space<hbm>>
      %dma_wait3A_867 = arith.constant 48 : i32
      %dma_wait3A_868 = arith.constant 0 : i32
      %dma_wait3A_869 = tpu.memref_slice %arg6[%dma_wait3A_867, %dma_wait3A_868] : memref<64x1024xf32, #tpu.memory_space<vmem>> -> memref<16x1024xf32, #tpu.memory_space<vmem>>
      tpu.wait_dma2 semaphore(%dma_wait3A_863 : memref<!tpu.dma_semaphore, #tpu.memory_space<semaphore_mem>>) src(%dma_wait3A_869 : memref<16x1024xf32, #tpu.memory_space<vmem>>) dst(%dma_wait3A_866 : memref<16x1024xf32, #tpu.memory_space<hbm>>)
      %add3A_870 = arith.constant 6 : i32
      %add3A_871 = arith.addi %add3A_487, %add3A_870 : i32
      %add3A_872 = arith.constant 8 : i32
      %add3A_873 = arith.addi %add3A_871, %add3A_872 : i32
      %mul3A_874 = arith.constant 8 : i32
      %mul3A_875 = arith.muli %add3A_873, %mul3A_874 : i32
      %dma_start3A_876 = arith.constant 6 : i32
      %dma_start3A_877 = arith.constant 48 : i32
      %dma_start3A_878 = arith.constant 0 : i32
      %dma_start3A_879 = tpu.memref_slice %arg6[%dma_start3A_877, %dma_start3A_878] : memref<64x1024xf32, #tpu.memory_space<vmem>> -> memref<8x1024xf32, #tpu.memory_space<vmem>>
      %dma_start3A_880 = tpu.memref_slice %arg5[%mul3A_875] : memref<1024xi32, #tpu.memory_space<vmem>> -> memref<8xi32, #tpu.memory_space<vmem>>
      %dma_start3A_881 = arith.constant 0 : i32
      %dma_start3A_882 = arith.constant 0 : i32
      %dma_start3A_883 = tpu.memref_slice %arg2[%dma_start3A_881, %dma_start3A_882] : memref<100000x1024xf32, #tpu.memory_space<hbm>> -> memref<100000x1024xf32, #tpu.memory_space<hbm>>
      %dma_start3A_884 = tpu.memref_slice %arg7[%dma_start3A_876] : memref<8x!tpu.dma_semaphore, #tpu.memory_space<semaphore_mem>> -> memref<1x!tpu.dma_semaphore, #tpu.memory_space<semaphore_mem>>
      %dma_start3A_885 = tpu.memref_squeeze %dma_start3A_884 : memref<1x!tpu.dma_semaphore, #tpu.memory_space<semaphore_mem>> -> memref<!tpu.dma_semaphore, #tpu.memory_space<semaphore_mem>>
      tpu.enqueue_indirect_dma source(%dma_start3A_883 : memref<100000x1024xf32, #tpu.memory_space<hbm>>) target(%dma_start3A_879 : memref<8x1024xf32, #tpu.memory_space<vmem>>) offsets(%dma_start3A_880 : memref<8xi32, #tpu.memory_space<vmem>>) semaphore(%dma_start3A_885 : memref<!tpu.dma_semaphore, #tpu.memory_space<semaphore_mem>>)
      %add3A_886 = arith.constant 6 : i32
      %add3A_887 = arith.addi %add3A_487, %add3A_886 : i32
      %add3A_888 = arith.constant 1 : i32
      %add3A_889 = arith.addi %add3A_887, %add3A_888 : i32
      %add3A_890 = arith.constant 8 : i32
      %add3A_891 = arith.addi %add3A_889, %add3A_890 : i32
      %mul3A_892 = arith.constant 8 : i32
      %mul3A_893 = arith.muli %add3A_891, %mul3A_892 : i32
      %dma_start3A_894 = arith.constant 7 : i32
      %dma_start3A_895 = arith.constant 56 : i32
      %dma_start3A_896 = arith.constant 0 : i32
      %dma_start3A_897 = tpu.memref_slice %arg6[%dma_start3A_895, %dma_start3A_896] : memref<64x1024xf32, #tpu.memory_space<vmem>> -> memref<8x1024xf32, #tpu.memory_space<vmem>>
      %dma_start3A_898 = tpu.memref_slice %arg5[%mul3A_893] : memref<1024xi32, #tpu.memory_space<vmem>> -> memref<8xi32, #tpu.memory_space<vmem>>
      %dma_start3A_899 = arith.constant 0 : i32
      %dma_start3A_900 = arith.constant 0 : i32
      %dma_start3A_901 = tpu.memref_slice %arg2[%dma_start3A_899, %dma_start3A_900] : memref<100000x1024xf32, #tpu.memory_space<hbm>> -> memref<100000x1024xf32, #tpu.memory_space<hbm>>
      %dma_start3A_902 = tpu.memref_slice %arg7[%dma_start3A_894] : memref<8x!tpu.dma_semaphore, #tpu.memory_space<semaphore_mem>> -> memref<1x!tpu.dma_semaphore, #tpu.memory_space<semaphore_mem>>
      %dma_start3A_903 = tpu.memref_squeeze %dma_start3A_902 : memref<1x!tpu.dma_semaphore, #tpu.memory_space<semaphore_mem>> -> memref<!tpu.dma_semaphore, #tpu.memory_space<semaphore_mem>>
      tpu.enqueue_indirect_dma source(%dma_start3A_901 : memref<100000x1024xf32, #tpu.memory_space<hbm>>) target(%dma_start3A_897 : memref<8x1024xf32, #tpu.memory_space<vmem>>) offsets(%dma_start3A_898 : memref<8xi32, #tpu.memory_space<vmem>>) semaphore(%dma_start3A_903 : memref<!tpu.dma_semaphore, #tpu.memory_space<semaphore_mem>>)
    }
    %scan3A_123 = arith.constant 15 : i32
    %dma_wait3A = arith.constant 0 : i32
    %dma_wait3A_124 = arith.constant 0 : i32
    %dma_wait3A_125 = arith.constant 0 : i32
    %dma_wait3A_126 = tpu.memref_slice %arg6[%dma_wait3A_124, %dma_wait3A_125] : memref<64x1024xf32, #tpu.memory_space<vmem>> -> memref<8x1024xf32, #tpu.memory_space<vmem>>
    %dma_wait3A_127 = arith.constant 960 : i32
    %dma_wait3A_128 = tpu.memref_slice %arg5[%dma_wait3A_127] : memref<1024xi32, #tpu.memory_space<vmem>> -> memref<8xi32, #tpu.memory_space<vmem>>
    %dma_wait3A_129 = arith.constant 0 : i32
    %dma_wait3A_130 = arith.constant 0 : i32
    %dma_wait3A_131 = tpu.memref_slice %arg2[%dma_wait3A_129, %dma_wait3A_130] : memref<100000x1024xf32, #tpu.memory_space<hbm>> -> memref<100000x1024xf32, #tpu.memory_space<hbm>>
    %dma_wait3A_132 = tpu.memref_slice %arg7[%dma_wait3A] : memref<8x!tpu.dma_semaphore, #tpu.memory_space<semaphore_mem>> -> memref<1x!tpu.dma_semaphore, #tpu.memory_space<semaphore_mem>>
    %dma_wait3A_133 = tpu.memref_squeeze %dma_wait3A_132 : memref<1x!tpu.dma_semaphore, #tpu.memory_space<semaphore_mem>> -> memref<!tpu.dma_semaphore, #tpu.memory_space<semaphore_mem>>
    tpu.wait_indirect_dma semaphore(%dma_wait3A_133 : memref<!tpu.dma_semaphore, #tpu.memory_space<semaphore_mem>>) src(%dma_wait3A_131 : memref<100000x1024xf32, #tpu.memory_space<hbm>>) dst(%dma_wait3A_126 : memref<8x1024xf32, #tpu.memory_space<vmem>>)
    %add3A_134 = arith.constant 960 : i32
    %add3A_135 = arith.addi %mul3A_32, %add3A_134 : i32
    %dma_start3A_136 = arith.constant 0 : i32
    %dma_start3A_137 = arith.constant 0 : i32
    %dma_start3A_138 = arith.constant 0 : i32
    %dma_start3A_139 = tpu.memref_slice %arg6[%dma_start3A_137, %dma_start3A_138] : memref<64x1024xf32, #tpu.memory_space<vmem>> -> memref<8x1024xf32, #tpu.memory_space<vmem>>
    %dma_start3A_140 = arith.constant 0 : i32
    %dma_start3A_141 = tpu.memref_slice %arg4[%select_n3A, %add3A_135, %dma_start3A_140] : memref<4x8192x1024xf32, #tpu.memory_space<hbm>> -> memref<1x8x1024xf32, #tpu.memory_space<hbm>>
    %dma_start3A_142 = tpu.memref_squeeze %dma_start3A_141 : memref<1x8x1024xf32, #tpu.memory_space<hbm>> -> memref<8x1024xf32, #tpu.memory_space<hbm>>
    %dma_start3A_143 = tpu.memref_slice %arg8[%dma_start3A_136] : memref<8x!tpu.dma_semaphore, #tpu.memory_space<semaphore_mem>> -> memref<1x!tpu.dma_semaphore, #tpu.memory_space<semaphore_mem>>
    %dma_start3A_144 = tpu.memref_squeeze %dma_start3A_143 : memref<1x!tpu.dma_semaphore, #tpu.memory_space<semaphore_mem>> -> memref<!tpu.dma_semaphore, #tpu.memory_space<semaphore_mem>>
    %dma_start3A_145 = arith.constant 0 : i32
    %dma_start3A_146 = tpu.memref_slice %arg4[%select_n3A, %add3A_135, %dma_start3A_145] : memref<4x8192x1024xf32, #tpu.memory_space<hbm>> -> memref<1x8x1024xf32, #tpu.memory_space<hbm>>
    %dma_start3A_147 = tpu.memref_squeeze %dma_start3A_146 : memref<1x8x1024xf32, #tpu.memory_space<hbm>> -> memref<8x1024xf32, #tpu.memory_space<hbm>>
    %dma_start3A_148 = arith.constant 0 : i32
    %dma_start3A_149 = arith.constant 0 : i32
    %dma_start3A_150 = tpu.memref_slice %arg6[%dma_start3A_148, %dma_start3A_149] : memref<64x1024xf32, #tpu.memory_space<vmem>> -> memref<8x1024xf32, #tpu.memory_space<vmem>>
    tpu.enqueue_dma source(%dma_start3A_150 : memref<8x1024xf32, #tpu.memory_space<vmem>>) target(%dma_start3A_147 : memref<8x1024xf32, #tpu.memory_space<hbm>>) target_semaphore(%dma_start3A_144 : memref<!tpu.dma_semaphore, #tpu.memory_space<semaphore_mem>>)
    %dma_wait3A_151 = arith.constant 1 : i32
    %dma_wait3A_152 = arith.constant 8 : i32
    %dma_wait3A_153 = arith.constant 0 : i32
    %dma_wait3A_154 = tpu.memref_slice %arg6[%dma_wait3A_152, %dma_wait3A_153] : memref<64x1024xf32, #tpu.memory_space<vmem>> -> memref<8x1024xf32, #tpu.memory_space<vmem>>
    %dma_wait3A_155 = arith.constant 968 : i32
    %dma_wait3A_156 = tpu.memref_slice %arg5[%dma_wait3A_155] : memref<1024xi32, #tpu.memory_space<vmem>> -> memref<8xi32, #tpu.memory_space<vmem>>
    %dma_wait3A_157 = arith.constant 0 : i32
    %dma_wait3A_158 = arith.constant 0 : i32
    %dma_wait3A_159 = tpu.memref_slice %arg2[%dma_wait3A_157, %dma_wait3A_158] : memref<100000x1024xf32, #tpu.memory_space<hbm>> -> memref<100000x1024xf32, #tpu.memory_space<hbm>>
    %dma_wait3A_160 = tpu.memref_slice %arg7[%dma_wait3A_151] : memref<8x!tpu.dma_semaphore, #tpu.memory_space<semaphore_mem>> -> memref<1x!tpu.dma_semaphore, #tpu.memory_space<semaphore_mem>>
    %dma_wait3A_161 = tpu.memref_squeeze %dma_wait3A_160 : memref<1x!tpu.dma_semaphore, #tpu.memory_space<semaphore_mem>> -> memref<!tpu.dma_semaphore, #tpu.memory_space<semaphore_mem>>
    tpu.wait_indirect_dma semaphore(%dma_wait3A_161 : memref<!tpu.dma_semaphore, #tpu.memory_space<semaphore_mem>>) src(%dma_wait3A_159 : memref<100000x1024xf32, #tpu.memory_space<hbm>>) dst(%dma_wait3A_154 : memref<8x1024xf32, #tpu.memory_space<vmem>>)
    %add3A_162 = arith.constant 968 : i32
    %add3A_163 = arith.addi %mul3A_32, %add3A_162 : i32
    %dma_start3A_164 = arith.constant 1 : i32
    %dma_start3A_165 = arith.constant 8 : i32
    %dma_start3A_166 = arith.constant 0 : i32
    %dma_start3A_167 = tpu.memref_slice %arg6[%dma_start3A_165, %dma_start3A_166] : memref<64x1024xf32, #tpu.memory_space<vmem>> -> memref<8x1024xf32, #tpu.memory_space<vmem>>
    %dma_start3A_168 = arith.constant 0 : i32
    %dma_start3A_169 = tpu.memref_slice %arg4[%select_n3A, %add3A_163, %dma_start3A_168] : memref<4x8192x1024xf32, #tpu.memory_space<hbm>> -> memref<1x8x1024xf32, #tpu.memory_space<hbm>>
    %dma_start3A_170 = tpu.memref_squeeze %dma_start3A_169 : memref<1x8x1024xf32, #tpu.memory_space<hbm>> -> memref<8x1024xf32, #tpu.memory_space<hbm>>
    %dma_start3A_171 = tpu.memref_slice %arg8[%dma_start3A_164] : memref<8x!tpu.dma_semaphore, #tpu.memory_space<semaphore_mem>> -> memref<1x!tpu.dma_semaphore, #tpu.memory_space<semaphore_mem>>
    %dma_start3A_172 = tpu.memref_squeeze %dma_start3A_171 : memref<1x!tpu.dma_semaphore, #tpu.memory_space<semaphore_mem>> -> memref<!tpu.dma_semaphore, #tpu.memory_space<semaphore_mem>>
    %dma_start3A_173 = arith.constant 0 : i32
    %dma_start3A_174 = tpu.memref_slice %arg4[%select_n3A, %add3A_163, %dma_start3A_173] : memref<4x8192x1024xf32, #tpu.memory_space<hbm>> -> memref<1x8x1024xf32, #tpu.memory_space<hbm>>
    %dma_start3A_175 = tpu.memref_squeeze %dma_start3A_174 : memref<1x8x1024xf32, #tpu.memory_space<hbm>> -> memref<8x1024xf32, #tpu.memory_space<hbm>>
    %dma_start3A_176 = arith.constant 8 : i32
    %dma_start3A_177 = arith.constant 0 : i32
    %dma_start3A_178 = tpu.memref_slice %arg6[%dma_start3A_176, %dma_start3A_177] : memref<64x1024xf32, #tpu.memory_space<vmem>> -> memref<8x1024xf32, #tpu.memory_space<vmem>>
    tpu.enqueue_dma source(%dma_start3A_178 : memref<8x1024xf32, #tpu.memory_space<vmem>>) target(%dma_start3A_175 : memref<8x1024xf32, #tpu.memory_space<hbm>>) target_semaphore(%dma_start3A_172 : memref<!tpu.dma_semaphore, #tpu.memory_space<semaphore_mem>>)
    %dma_wait3A_179 = arith.constant 2 : i32
    %dma_wait3A_180 = arith.constant 16 : i32
    %dma_wait3A_181 = arith.constant 0 : i32
    %dma_wait3A_182 = tpu.memref_slice %arg6[%dma_wait3A_180, %dma_wait3A_181] : memref<64x1024xf32, #tpu.memory_space<vmem>> -> memref<8x1024xf32, #tpu.memory_space<vmem>>
    %dma_wait3A_183 = arith.constant 976 : i32
    %dma_wait3A_184 = tpu.memref_slice %arg5[%dma_wait3A_183] : memref<1024xi32, #tpu.memory_space<vmem>> -> memref<8xi32, #tpu.memory_space<vmem>>
    %dma_wait3A_185 = arith.constant 0 : i32
    %dma_wait3A_186 = arith.constant 0 : i32
    %dma_wait3A_187 = tpu.memref_slice %arg2[%dma_wait3A_185, %dma_wait3A_186] : memref<100000x1024xf32, #tpu.memory_space<hbm>> -> memref<100000x1024xf32, #tpu.memory_space<hbm>>
    %dma_wait3A_188 = tpu.memref_slice %arg7[%dma_wait3A_179] : memref<8x!tpu.dma_semaphore, #tpu.memory_space<semaphore_mem>> -> memref<1x!tpu.dma_semaphore, #tpu.memory_space<semaphore_mem>>
    %dma_wait3A_189 = tpu.memref_squeeze %dma_wait3A_188 : memref<1x!tpu.dma_semaphore, #tpu.memory_space<semaphore_mem>> -> memref<!tpu.dma_semaphore, #tpu.memory_space<semaphore_mem>>
    tpu.wait_indirect_dma semaphore(%dma_wait3A_189 : memref<!tpu.dma_semaphore, #tpu.memory_space<semaphore_mem>>) src(%dma_wait3A_187 : memref<100000x1024xf32, #tpu.memory_space<hbm>>) dst(%dma_wait3A_182 : memref<8x1024xf32, #tpu.memory_space<vmem>>)
    %add3A_190 = arith.constant 976 : i32
    %add3A_191 = arith.addi %mul3A_32, %add3A_190 : i32
    %dma_start3A_192 = arith.constant 2 : i32
    %dma_start3A_193 = arith.constant 16 : i32
    %dma_start3A_194 = arith.constant 0 : i32
    %dma_start3A_195 = tpu.memref_slice %arg6[%dma_start3A_193, %dma_start3A_194] : memref<64x1024xf32, #tpu.memory_space<vmem>> -> memref<8x1024xf32, #tpu.memory_space<vmem>>
    %dma_start3A_196 = arith.constant 0 : i32
    %dma_start3A_197 = tpu.memref_slice %arg4[%select_n3A, %add3A_191, %dma_start3A_196] : memref<4x8192x1024xf32, #tpu.memory_space<hbm>> -> memref<1x8x1024xf32, #tpu.memory_space<hbm>>
    %dma_start3A_198 = tpu.memref_squeeze %dma_start3A_197 : memref<1x8x1024xf32, #tpu.memory_space<hbm>> -> memref<8x1024xf32, #tpu.memory_space<hbm>>
    %dma_start3A_199 = tpu.memref_slice %arg8[%dma_start3A_192] : memref<8x!tpu.dma_semaphore, #tpu.memory_space<semaphore_mem>> -> memref<1x!tpu.dma_semaphore, #tpu.memory_space<semaphore_mem>>
    %dma_start3A_200 = tpu.memref_squeeze %dma_start3A_199 : memref<1x!tpu.dma_semaphore, #tpu.memory_space<semaphore_mem>> -> memref<!tpu.dma_semaphore, #tpu.memory_space<semaphore_mem>>
    %dma_start3A_201 = arith.constant 0 : i32
    %dma_start3A_202 = tpu.memref_slice %arg4[%select_n3A, %add3A_191, %dma_start3A_201] : memref<4x8192x1024xf32, #tpu.memory_space<hbm>> -> memref<1x8x1024xf32, #tpu.memory_space<hbm>>
    %dma_start3A_203 = tpu.memref_squeeze %dma_start3A_202 : memref<1x8x1024xf32, #tpu.memory_space<hbm>> -> memref<8x1024xf32, #tpu.memory_space<hbm>>
    %dma_start3A_204 = arith.constant 16 : i32
    %dma_start3A_205 = arith.constant 0 : i32
    %dma_start3A_206 = tpu.memref_slice %arg6[%dma_start3A_204, %dma_start3A_205] : memref<64x1024xf32, #tpu.memory_space<vmem>> -> memref<8x1024xf32, #tpu.memory_space<vmem>>
    tpu.enqueue_dma source(%dma_start3A_206 : memref<8x1024xf32, #tpu.memory_space<vmem>>) target(%dma_start3A_203 : memref<8x1024xf32, #tpu.memory_space<hbm>>) target_semaphore(%dma_start3A_200 : memref<!tpu.dma_semaphore, #tpu.memory_space<semaphore_mem>>)
    %dma_wait3A_207 = arith.constant 3 : i32
    %dma_wait3A_208 = arith.constant 24 : i32
    %dma_wait3A_209 = arith.constant 0 : i32
    %dma_wait3A_210 = tpu.memref_slice %arg6[%dma_wait3A_208, %dma_wait3A_209] : memref<64x1024xf32, #tpu.memory_space<vmem>> -> memref<8x1024xf32, #tpu.memory_space<vmem>>
    %dma_wait3A_211 = arith.constant 984 : i32
    %dma_wait3A_212 = tpu.memref_slice %arg5[%dma_wait3A_211] : memref<1024xi32, #tpu.memory_space<vmem>> -> memref<8xi32, #tpu.memory_space<vmem>>
    %dma_wait3A_213 = arith.constant 0 : i32
    %dma_wait3A_214 = arith.constant 0 : i32
    %dma_wait3A_215 = tpu.memref_slice %arg2[%dma_wait3A_213, %dma_wait3A_214] : memref<100000x1024xf32, #tpu.memory_space<hbm>> -> memref<100000x1024xf32, #tpu.memory_space<hbm>>
    %dma_wait3A_216 = tpu.memref_slice %arg7[%dma_wait3A_207] : memref<8x!tpu.dma_semaphore, #tpu.memory_space<semaphore_mem>> -> memref<1x!tpu.dma_semaphore, #tpu.memory_space<semaphore_mem>>
    %dma_wait3A_217 = tpu.memref_squeeze %dma_wait3A_216 : memref<1x!tpu.dma_semaphore, #tpu.memory_space<semaphore_mem>> -> memref<!tpu.dma_semaphore, #tpu.memory_space<semaphore_mem>>
    tpu.wait_indirect_dma semaphore(%dma_wait3A_217 : memref<!tpu.dma_semaphore, #tpu.memory_space<semaphore_mem>>) src(%dma_wait3A_215 : memref<100000x1024xf32, #tpu.memory_space<hbm>>) dst(%dma_wait3A_210 : memref<8x1024xf32, #tpu.memory_space<vmem>>)
    %add3A_218 = arith.constant 984 : i32
    %add3A_219 = arith.addi %mul3A_32, %add3A_218 : i32
    %dma_start3A_220 = arith.constant 3 : i32
    %dma_start3A_221 = arith.constant 24 : i32
    %dma_start3A_222 = arith.constant 0 : i32
    %dma_start3A_223 = tpu.memref_slice %arg6[%dma_start3A_221, %dma_start3A_222] : memref<64x1024xf32, #tpu.memory_space<vmem>> -> memref<8x1024xf32, #tpu.memory_space<vmem>>
    %dma_start3A_224 = arith.constant 0 : i32
    %dma_start3A_225 = tpu.memref_slice %arg4[%select_n3A, %add3A_219, %dma_start3A_224] : memref<4x8192x1024xf32, #tpu.memory_space<hbm>> -> memref<1x8x1024xf32, #tpu.memory_space<hbm>>
    %dma_start3A_226 = tpu.memref_squeeze %dma_start3A_225 : memref<1x8x1024xf32, #tpu.memory_space<hbm>> -> memref<8x1024xf32, #tpu.memory_space<hbm>>
    %dma_start3A_227 = tpu.memref_slice %arg8[%dma_start3A_220] : memref<8x!tpu.dma_semaphore, #tpu.memory_space<semaphore_mem>> -> memref<1x!tpu.dma_semaphore, #tpu.memory_space<semaphore_mem>>
    %dma_start3A_228 = tpu.memref_squeeze %dma_start3A_227 : memref<1x!tpu.dma_semaphore, #tpu.memory_space<semaphore_mem>> -> memref<!tpu.dma_semaphore, #tpu.memory_space<semaphore_mem>>
    %dma_start3A_229 = arith.constant 0 : i32
    %dma_start3A_230 = tpu.memref_slice %arg4[%select_n3A, %add3A_219, %dma_start3A_229] : memref<4x8192x1024xf32, #tpu.memory_space<hbm>> -> memref<1x8x1024xf32, #tpu.memory_space<hbm>>
    %dma_start3A_231 = tpu.memref_squeeze %dma_start3A_230 : memref<1x8x1024xf32, #tpu.memory_space<hbm>> -> memref<8x1024xf32, #tpu.memory_space<hbm>>
    %dma_start3A_232 = arith.constant 24 : i32
    %dma_start3A_233 = arith.constant 0 : i32
    %dma_start3A_234 = tpu.memref_slice %arg6[%dma_start3A_232, %dma_start3A_233] : memref<64x1024xf32, #tpu.memory_space<vmem>> -> memref<8x1024xf32, #tpu.memory_space<vmem>>
    tpu.enqueue_dma source(%dma_start3A_234 : memref<8x1024xf32, #tpu.memory_space<vmem>>) target(%dma_start3A_231 : memref<8x1024xf32, #tpu.memory_space<hbm>>) target_semaphore(%dma_start3A_228 : memref<!tpu.dma_semaphore, #tpu.memory_space<semaphore_mem>>)
    %dma_wait3A_235 = arith.constant 4 : i32
    %dma_wait3A_236 = arith.constant 32 : i32
    %dma_wait3A_237 = arith.constant 0 : i32
    %dma_wait3A_238 = tpu.memref_slice %arg6[%dma_wait3A_236, %dma_wait3A_237] : memref<64x1024xf32, #tpu.memory_space<vmem>> -> memref<8x1024xf32, #tpu.memory_space<vmem>>
    %dma_wait3A_239 = arith.constant 992 : i32
    %dma_wait3A_240 = tpu.memref_slice %arg5[%dma_wait3A_239] : memref<1024xi32, #tpu.memory_space<vmem>> -> memref<8xi32, #tpu.memory_space<vmem>>
    %dma_wait3A_241 = arith.constant 0 : i32
    %dma_wait3A_242 = arith.constant 0 : i32
    %dma_wait3A_243 = tpu.memref_slice %arg2[%dma_wait3A_241, %dma_wait3A_242] : memref<100000x1024xf32, #tpu.memory_space<hbm>> -> memref<100000x1024xf32, #tpu.memory_space<hbm>>
    %dma_wait3A_244 = tpu.memref_slice %arg7[%dma_wait3A_235] : memref<8x!tpu.dma_semaphore, #tpu.memory_space<semaphore_mem>> -> memref<1x!tpu.dma_semaphore, #tpu.memory_space<semaphore_mem>>
    %dma_wait3A_245 = tpu.memref_squeeze %dma_wait3A_244 : memref<1x!tpu.dma_semaphore, #tpu.memory_space<semaphore_mem>> -> memref<!tpu.dma_semaphore, #tpu.memory_space<semaphore_mem>>
    tpu.wait_indirect_dma semaphore(%dma_wait3A_245 : memref<!tpu.dma_semaphore, #tpu.memory_space<semaphore_mem>>) src(%dma_wait3A_243 : memref<100000x1024xf32, #tpu.memory_space<hbm>>) dst(%dma_wait3A_238 : memref<8x1024xf32, #tpu.memory_space<vmem>>)
    %add3A_246 = arith.constant 992 : i32
    %add3A_247 = arith.addi %mul3A_32, %add3A_246 : i32
    %dma_start3A_248 = arith.constant 4 : i32
    %dma_start3A_249 = arith.constant 32 : i32
    %dma_start3A_250 = arith.constant 0 : i32
    %dma_start3A_251 = tpu.memref_slice %arg6[%dma_start3A_249, %dma_start3A_250] : memref<64x1024xf32, #tpu.memory_space<vmem>> -> memref<8x1024xf32, #tpu.memory_space<vmem>>
    %dma_start3A_252 = arith.constant 0 : i32
    %dma_start3A_253 = tpu.memref_slice %arg4[%select_n3A, %add3A_247, %dma_start3A_252] : memref<4x8192x1024xf32, #tpu.memory_space<hbm>> -> memref<1x8x1024xf32, #tpu.memory_space<hbm>>
    %dma_start3A_254 = tpu.memref_squeeze %dma_start3A_253 : memref<1x8x1024xf32, #tpu.memory_space<hbm>> -> memref<8x1024xf32, #tpu.memory_space<hbm>>
    %dma_start3A_255 = tpu.memref_slice %arg8[%dma_start3A_248] : memref<8x!tpu.dma_semaphore, #tpu.memory_space<semaphore_mem>> -> memref<1x!tpu.dma_semaphore, #tpu.memory_space<semaphore_mem>>
    %dma_start3A_256 = tpu.memref_squeeze %dma_start3A_255 : memref<1x!tpu.dma_semaphore, #tpu.memory_space<semaphore_mem>> -> memref<!tpu.dma_semaphore, #tpu.memory_space<semaphore_mem>>
    %dma_start3A_257 = arith.constant 0 : i32
    %dma_start3A_258 = tpu.memref_slice %arg4[%select_n3A, %add3A_247, %dma_start3A_257] : memref<4x8192x1024xf32, #tpu.memory_space<hbm>> -> memref<1x8x1024xf32, #tpu.memory_space<hbm>>
    %dma_start3A_259 = tpu.memref_squeeze %dma_start3A_258 : memref<1x8x1024xf32, #tpu.memory_space<hbm>> -> memref<8x1024xf32, #tpu.memory_space<hbm>>
    %dma_start3A_260 = arith.constant 32 : i32
    %dma_start3A_261 = arith.constant 0 : i32
    %dma_start3A_262 = tpu.memref_slice %arg6[%dma_start3A_260, %dma_start3A_261] : memref<64x1024xf32, #tpu.memory_space<vmem>> -> memref<8x1024xf32, #tpu.memory_space<vmem>>
    tpu.enqueue_dma source(%dma_start3A_262 : memref<8x1024xf32, #tpu.memory_space<vmem>>) target(%dma_start3A_259 : memref<8x1024xf32, #tpu.memory_space<hbm>>) target_semaphore(%dma_start3A_256 : memref<!tpu.dma_semaphore, #tpu.memory_space<semaphore_mem>>)
    %dma_wait3A_263 = arith.constant 5 : i32
    %dma_wait3A_264 = arith.constant 40 : i32
    %dma_wait3A_265 = arith.constant 0 : i32
    %dma_wait3A_266 = tpu.memref_slice %arg6[%dma_wait3A_264, %dma_wait3A_265] : memref<64x1024xf32, #tpu.memory_space<vmem>> -> memref<8x1024xf32, #tpu.memory_space<vmem>>
    %dma_wait3A_267 = arith.constant 1000 : i32
    %dma_wait3A_268 = tpu.memref_slice %arg5[%dma_wait3A_267] : memref<1024xi32, #tpu.memory_space<vmem>> -> memref<8xi32, #tpu.memory_space<vmem>>
    %dma_wait3A_269 = arith.constant 0 : i32
    %dma_wait3A_270 = arith.constant 0 : i32
    %dma_wait3A_271 = tpu.memref_slice %arg2[%dma_wait3A_269, %dma_wait3A_270] : memref<100000x1024xf32, #tpu.memory_space<hbm>> -> memref<100000x1024xf32, #tpu.memory_space<hbm>>
    %dma_wait3A_272 = tpu.memref_slice %arg7[%dma_wait3A_263] : memref<8x!tpu.dma_semaphore, #tpu.memory_space<semaphore_mem>> -> memref<1x!tpu.dma_semaphore, #tpu.memory_space<semaphore_mem>>
    %dma_wait3A_273 = tpu.memref_squeeze %dma_wait3A_272 : memref<1x!tpu.dma_semaphore, #tpu.memory_space<semaphore_mem>> -> memref<!tpu.dma_semaphore, #tpu.memory_space<semaphore_mem>>
    tpu.wait_indirect_dma semaphore(%dma_wait3A_273 : memref<!tpu.dma_semaphore, #tpu.memory_space<semaphore_mem>>) src(%dma_wait3A_271 : memref<100000x1024xf32, #tpu.memory_space<hbm>>) dst(%dma_wait3A_266 : memref<8x1024xf32, #tpu.memory_space<vmem>>)
    %add3A_274 = arith.constant 1000 : i32
    %add3A_275 = arith.addi %mul3A_32, %add3A_274 : i32
    %dma_start3A_276 = arith.constant 5 : i32
    %dma_start3A_277 = arith.constant 40 : i32
    %dma_start3A_278 = arith.constant 0 : i32
    %dma_start3A_279 = tpu.memref_slice %arg6[%dma_start3A_277, %dma_start3A_278] : memref<64x1024xf32, #tpu.memory_space<vmem>> -> memref<8x1024xf32, #tpu.memory_space<vmem>>
    %dma_start3A_280 = arith.constant 0 : i32
    %dma_start3A_281 = tpu.memref_slice %arg4[%select_n3A, %add3A_275, %dma_start3A_280] : memref<4x8192x1024xf32, #tpu.memory_space<hbm>> -> memref<1x8x1024xf32, #tpu.memory_space<hbm>>
    %dma_start3A_282 = tpu.memref_squeeze %dma_start3A_281 : memref<1x8x1024xf32, #tpu.memory_space<hbm>> -> memref<8x1024xf32, #tpu.memory_space<hbm>>
    %dma_start3A_283 = tpu.memref_slice %arg8[%dma_start3A_276] : memref<8x!tpu.dma_semaphore, #tpu.memory_space<semaphore_mem>> -> memref<1x!tpu.dma_semaphore, #tpu.memory_space<semaphore_mem>>
    %dma_start3A_284 = tpu.memref_squeeze %dma_start3A_283 : memref<1x!tpu.dma_semaphore, #tpu.memory_space<semaphore_mem>> -> memref<!tpu.dma_semaphore, #tpu.memory_space<semaphore_mem>>
    %dma_start3A_285 = arith.constant 0 : i32
    %dma_start3A_286 = tpu.memref_slice %arg4[%select_n3A, %add3A_275, %dma_start3A_285] : memref<4x8192x1024xf32, #tpu.memory_space<hbm>> -> memref<1x8x1024xf32, #tpu.memory_space<hbm>>
    %dma_start3A_287 = tpu.memref_squeeze %dma_start3A_286 : memref<1x8x1024xf32, #tpu.memory_space<hbm>> -> memref<8x1024xf32, #tpu.memory_space<hbm>>
    %dma_start3A_288 = arith.constant 40 : i32
    %dma_start3A_289 = arith.constant 0 : i32
    %dma_start3A_290 = tpu.memref_slice %arg6[%dma_start3A_288, %dma_start3A_289] : memref<64x1024xf32, #tpu.memory_space<vmem>> -> memref<8x1024xf32, #tpu.memory_space<vmem>>
    tpu.enqueue_dma source(%dma_start3A_290 : memref<8x1024xf32, #tpu.memory_space<vmem>>) target(%dma_start3A_287 : memref<8x1024xf32, #tpu.memory_space<hbm>>) target_semaphore(%dma_start3A_284 : memref<!tpu.dma_semaphore, #tpu.memory_space<semaphore_mem>>)
    %dma_wait3A_291 = arith.constant 6 : i32
    %dma_wait3A_292 = arith.constant 48 : i32
    %dma_wait3A_293 = arith.constant 0 : i32
    %dma_wait3A_294 = tpu.memref_slice %arg6[%dma_wait3A_292, %dma_wait3A_293] : memref<64x1024xf32, #tpu.memory_space<vmem>> -> memref<8x1024xf32, #tpu.memory_space<vmem>>
    %dma_wait3A_295 = arith.constant 1008 : i32
    %dma_wait3A_296 = tpu.memref_slice %arg5[%dma_wait3A_295] : memref<1024xi32, #tpu.memory_space<vmem>> -> memref<8xi32, #tpu.memory_space<vmem>>
    %dma_wait3A_297 = arith.constant 0 : i32
    %dma_wait3A_298 = arith.constant 0 : i32
    %dma_wait3A_299 = tpu.memref_slice %arg2[%dma_wait3A_297, %dma_wait3A_298] : memref<100000x1024xf32, #tpu.memory_space<hbm>> -> memref<100000x1024xf32, #tpu.memory_space<hbm>>
    %dma_wait3A_300 = tpu.memref_slice %arg7[%dma_wait3A_291] : memref<8x!tpu.dma_semaphore, #tpu.memory_space<semaphore_mem>> -> memref<1x!tpu.dma_semaphore, #tpu.memory_space<semaphore_mem>>
    %dma_wait3A_301 = tpu.memref_squeeze %dma_wait3A_300 : memref<1x!tpu.dma_semaphore, #tpu.memory_space<semaphore_mem>> -> memref<!tpu.dma_semaphore, #tpu.memory_space<semaphore_mem>>
    tpu.wait_indirect_dma semaphore(%dma_wait3A_301 : memref<!tpu.dma_semaphore, #tpu.memory_space<semaphore_mem>>) src(%dma_wait3A_299 : memref<100000x1024xf32, #tpu.memory_space<hbm>>) dst(%dma_wait3A_294 : memref<8x1024xf32, #tpu.memory_space<vmem>>)
    %add3A_302 = arith.constant 1008 : i32
    %add3A_303 = arith.addi %mul3A_32, %add3A_302 : i32
    %dma_start3A_304 = arith.constant 6 : i32
    %dma_start3A_305 = arith.constant 48 : i32
    %dma_start3A_306 = arith.constant 0 : i32
    %dma_start3A_307 = tpu.memref_slice %arg6[%dma_start3A_305, %dma_start3A_306] : memref<64x1024xf32, #tpu.memory_space<vmem>> -> memref<8x1024xf32, #tpu.memory_space<vmem>>
    %dma_start3A_308 = arith.constant 0 : i32
    %dma_start3A_309 = tpu.memref_slice %arg4[%select_n3A, %add3A_303, %dma_start3A_308] : memref<4x8192x1024xf32, #tpu.memory_space<hbm>> -> memref<1x8x1024xf32, #tpu.memory_space<hbm>>
    %dma_start3A_310 = tpu.memref_squeeze %dma_start3A_309 : memref<1x8x1024xf32, #tpu.memory_space<hbm>> -> memref<8x1024xf32, #tpu.memory_space<hbm>>
    %dma_start3A_311 = tpu.memref_slice %arg8[%dma_start3A_304] : memref<8x!tpu.dma_semaphore, #tpu.memory_space<semaphore_mem>> -> memref<1x!tpu.dma_semaphore, #tpu.memory_space<semaphore_mem>>
    %dma_start3A_312 = tpu.memref_squeeze %dma_start3A_311 : memref<1x!tpu.dma_semaphore, #tpu.memory_space<semaphore_mem>> -> memref<!tpu.dma_semaphore, #tpu.memory_space<semaphore_mem>>
    %dma_start3A_313 = arith.constant 0 : i32
    %dma_start3A_314 = tpu.memref_slice %arg4[%select_n3A, %add3A_303, %dma_start3A_313] : memref<4x8192x1024xf32, #tpu.memory_space<hbm>> -> memref<1x8x1024xf32, #tpu.memory_space<hbm>>
    %dma_start3A_315 = tpu.memref_squeeze %dma_start3A_314 : memref<1x8x1024xf32, #tpu.memory_space<hbm>> -> memref<8x1024xf32, #tpu.memory_space<hbm>>
    %dma_start3A_316 = arith.constant 48 : i32
    %dma_start3A_317 = arith.constant 0 : i32
    %dma_start3A_318 = tpu.memref_slice %arg6[%dma_start3A_316, %dma_start3A_317] : memref<64x1024xf32, #tpu.memory_space<vmem>> -> memref<8x1024xf32, #tpu.memory_space<vmem>>
    tpu.enqueue_dma source(%dma_start3A_318 : memref<8x1024xf32, #tpu.memory_space<vmem>>) target(%dma_start3A_315 : memref<8x1024xf32, #tpu.memory_space<hbm>>) target_semaphore(%dma_start3A_312 : memref<!tpu.dma_semaphore, #tpu.memory_space<semaphore_mem>>)
    %dma_wait3A_319 = arith.constant 7 : i32
    %dma_wait3A_320 = arith.constant 56 : i32
    %dma_wait3A_321 = arith.constant 0 : i32
    %dma_wait3A_322 = tpu.memref_slice %arg6[%dma_wait3A_320, %dma_wait3A_321] : memref<64x1024xf32, #tpu.memory_space<vmem>> -> memref<8x1024xf32, #tpu.memory_space<vmem>>
    %dma_wait3A_323 = arith.constant 1016 : i32
    %dma_wait3A_324 = tpu.memref_slice %arg5[%dma_wait3A_323] : memref<1024xi32, #tpu.memory_space<vmem>> -> memref<8xi32, #tpu.memory_space<vmem>>
    %dma_wait3A_325 = arith.constant 0 : i32
    %dma_wait3A_326 = arith.constant 0 : i32
    %dma_wait3A_327 = tpu.memref_slice %arg2[%dma_wait3A_325, %dma_wait3A_326] : memref<100000x1024xf32, #tpu.memory_space<hbm>> -> memref<100000x1024xf32, #tpu.memory_space<hbm>>
    %dma_wait3A_328 = tpu.memref_slice %arg7[%dma_wait3A_319] : memref<8x!tpu.dma_semaphore, #tpu.memory_space<semaphore_mem>> -> memref<1x!tpu.dma_semaphore, #tpu.memory_space<semaphore_mem>>
    %dma_wait3A_329 = tpu.memref_squeeze %dma_wait3A_328 : memref<1x!tpu.dma_semaphore, #tpu.memory_space<semaphore_mem>> -> memref<!tpu.dma_semaphore, #tpu.memory_space<semaphore_mem>>
    tpu.wait_indirect_dma semaphore(%dma_wait3A_329 : memref<!tpu.dma_semaphore, #tpu.memory_space<semaphore_mem>>) src(%dma_wait3A_327 : memref<100000x1024xf32, #tpu.memory_space<hbm>>) dst(%dma_wait3A_322 : memref<8x1024xf32, #tpu.memory_space<vmem>>)
    %add3A_330 = arith.constant 1016 : i32
    %add3A_331 = arith.addi %mul3A_32, %add3A_330 : i32
    %dma_start3A_332 = arith.constant 7 : i32
    %dma_start3A_333 = arith.constant 56 : i32
    %dma_start3A_334 = arith.constant 0 : i32
    %dma_start3A_335 = tpu.memref_slice %arg6[%dma_start3A_333, %dma_start3A_334] : memref<64x1024xf32, #tpu.memory_space<vmem>> -> memref<8x1024xf32, #tpu.memory_space<vmem>>
    %dma_start3A_336 = arith.constant 0 : i32
    %dma_start3A_337 = tpu.memref_slice %arg4[%select_n3A, %add3A_331, %dma_start3A_336] : memref<4x8192x1024xf32, #tpu.memory_space<hbm>> -> memref<1x8x1024xf32, #tpu.memory_space<hbm>>
    %dma_start3A_338 = tpu.memref_squeeze %dma_start3A_337 : memref<1x8x1024xf32, #tpu.memory_space<hbm>> -> memref<8x1024xf32, #tpu.memory_space<hbm>>
    %dma_start3A_339 = tpu.memref_slice %arg8[%dma_start3A_332] : memref<8x!tpu.dma_semaphore, #tpu.memory_space<semaphore_mem>> -> memref<1x!tpu.dma_semaphore, #tpu.memory_space<semaphore_mem>>
    %dma_start3A_340 = tpu.memref_squeeze %dma_start3A_339 : memref<1x!tpu.dma_semaphore, #tpu.memory_space<semaphore_mem>> -> memref<!tpu.dma_semaphore, #tpu.memory_space<semaphore_mem>>
    %dma_start3A_341 = arith.constant 0 : i32
    %dma_start3A_342 = tpu.memref_slice %arg4[%select_n3A, %add3A_331, %dma_start3A_341] : memref<4x8192x1024xf32, #tpu.memory_space<hbm>> -> memref<1x8x1024xf32, #tpu.memory_space<hbm>>
    %dma_start3A_343 = tpu.memref_squeeze %dma_start3A_342 : memref<1x8x1024xf32, #tpu.memory_space<hbm>> -> memref<8x1024xf32, #tpu.memory_space<hbm>>
    %dma_start3A_344 = arith.constant 56 : i32
    %dma_start3A_345 = arith.constant 0 : i32
    %dma_start3A_346 = tpu.memref_slice %arg6[%dma_start3A_344, %dma_start3A_345] : memref<64x1024xf32, #tpu.memory_space<vmem>> -> memref<8x1024xf32, #tpu.memory_space<vmem>>
    tpu.enqueue_dma source(%dma_start3A_346 : memref<8x1024xf32, #tpu.memory_space<vmem>>) target(%dma_start3A_343 : memref<8x1024xf32, #tpu.memory_space<hbm>>) target_semaphore(%dma_start3A_340 : memref<!tpu.dma_semaphore, #tpu.memory_space<semaphore_mem>>)
    %add3A_347 = arith.constant 960 : i32
    %add3A_348 = arith.addi %mul3A_32, %add3A_347 : i32
    %dma_wait3A_349 = arith.constant 0 : i32
    %dma_wait3A_350 = arith.constant 0 : i32
    %dma_wait3A_351 = arith.constant 0 : i32
    %dma_wait3A_352 = tpu.memref_slice %arg6[%dma_wait3A_350, %dma_wait3A_351] : memref<64x1024xf32, #tpu.memory_space<vmem>> -> memref<8x1024xf32, #tpu.memory_space<vmem>>
    %dma_wait3A_353 = arith.constant 0 : i32
    %dma_wait3A_354 = tpu.memref_slice %arg4[%select_n3A, %add3A_348, %dma_wait3A_353] : memref<4x8192x1024xf32, #tpu.memory_space<hbm>> -> memref<1x8x1024xf32, #tpu.memory_space<hbm>>
    %dma_wait3A_355 = tpu.memref_squeeze %dma_wait3A_354 : memref<1x8x1024xf32, #tpu.memory_space<hbm>> -> memref<8x1024xf32, #tpu.memory_space<hbm>>
    %dma_wait3A_356 = tpu.memref_slice %arg8[%dma_wait3A_349] : memref<8x!tpu.dma_semaphore, #tpu.memory_space<semaphore_mem>> -> memref<1x!tpu.dma_semaphore, #tpu.memory_space<semaphore_mem>>
    %dma_wait3A_357 = tpu.memref_squeeze %dma_wait3A_356 : memref<1x!tpu.dma_semaphore, #tpu.memory_space<semaphore_mem>> -> memref<!tpu.dma_semaphore, #tpu.memory_space<semaphore_mem>>
    %dma_wait3A_358 = arith.constant 0 : i32
    %dma_wait3A_359 = tpu.memref_slice %arg4[%select_n3A, %add3A_348, %dma_wait3A_358] : memref<4x8192x1024xf32, #tpu.memory_space<hbm>> -> memref<1x8x1024xf32, #tpu.memory_space<hbm>>
    %dma_wait3A_360 = tpu.memref_squeeze %dma_wait3A_359 : memref<1x8x1024xf32, #tpu.memory_space<hbm>> -> memref<8x1024xf32, #tpu.memory_space<hbm>>
    %dma_wait3A_361 = arith.constant 0 : i32
    %dma_wait3A_362 = arith.constant 0 : i32
    %dma_wait3A_363 = tpu.memref_slice %arg6[%dma_wait3A_361, %dma_wait3A_362] : memref<64x1024xf32, #tpu.memory_space<vmem>> -> memref<8x1024xf32, #tpu.memory_space<vmem>>
    tpu.wait_dma2 semaphore(%dma_wait3A_357 : memref<!tpu.dma_semaphore, #tpu.memory_space<semaphore_mem>>) src(%dma_wait3A_363 : memref<8x1024xf32, #tpu.memory_space<vmem>>) dst(%dma_wait3A_360 : memref<8x1024xf32, #tpu.memory_space<hbm>>)
    %add3A_364 = arith.constant 968 : i32
    %add3A_365 = arith.addi %mul3A_32, %add3A_364 : i32
    %dma_wait3A_366 = arith.constant 1 : i32
    %dma_wait3A_367 = arith.constant 8 : i32
    %dma_wait3A_368 = arith.constant 0 : i32
    %dma_wait3A_369 = tpu.memref_slice %arg6[%dma_wait3A_367, %dma_wait3A_368] : memref<64x1024xf32, #tpu.memory_space<vmem>> -> memref<8x1024xf32, #tpu.memory_space<vmem>>
    %dma_wait3A_370 = arith.constant 0 : i32
    %dma_wait3A_371 = tpu.memref_slice %arg4[%select_n3A, %add3A_365, %dma_wait3A_370] : memref<4x8192x1024xf32, #tpu.memory_space<hbm>> -> memref<1x8x1024xf32, #tpu.memory_space<hbm>>
    %dma_wait3A_372 = tpu.memref_squeeze %dma_wait3A_371 : memref<1x8x1024xf32, #tpu.memory_space<hbm>> -> memref<8x1024xf32, #tpu.memory_space<hbm>>
    %dma_wait3A_373 = tpu.memref_slice %arg8[%dma_wait3A_366] : memref<8x!tpu.dma_semaphore, #tpu.memory_space<semaphore_mem>> -> memref<1x!tpu.dma_semaphore, #tpu.memory_space<semaphore_mem>>
    %dma_wait3A_374 = tpu.memref_squeeze %dma_wait3A_373 : memref<1x!tpu.dma_semaphore, #tpu.memory_space<semaphore_mem>> -> memref<!tpu.dma_semaphore, #tpu.memory_space<semaphore_mem>>
    %dma_wait3A_375 = arith.constant 0 : i32
    %dma_wait3A_376 = tpu.memref_slice %arg4[%select_n3A, %add3A_365, %dma_wait3A_375] : memref<4x8192x1024xf32, #tpu.memory_space<hbm>> -> memref<1x8x1024xf32, #tpu.memory_space<hbm>>
    %dma_wait3A_377 = tpu.memref_squeeze %dma_wait3A_376 : memref<1x8x1024xf32, #tpu.memory_space<hbm>> -> memref<8x1024xf32, #tpu.memory_space<hbm>>
    %dma_wait3A_378 = arith.constant 8 : i32
    %dma_wait3A_379 = arith.constant 0 : i32
    %dma_wait3A_380 = tpu.memref_slice %arg6[%dma_wait3A_378, %dma_wait3A_379] : memref<64x1024xf32, #tpu.memory_space<vmem>> -> memref<8x1024xf32, #tpu.memory_space<vmem>>
    tpu.wait_dma2 semaphore(%dma_wait3A_374 : memref<!tpu.dma_semaphore, #tpu.memory_space<semaphore_mem>>) src(%dma_wait3A_380 : memref<8x1024xf32, #tpu.memory_space<vmem>>) dst(%dma_wait3A_377 : memref<8x1024xf32, #tpu.memory_space<hbm>>)
    %add3A_381 = arith.constant 976 : i32
    %add3A_382 = arith.addi %mul3A_32, %add3A_381 : i32
    %dma_wait3A_383 = arith.constant 2 : i32
    %dma_wait3A_384 = arith.constant 16 : i32
    %dma_wait3A_385 = arith.constant 0 : i32
    %dma_wait3A_386 = tpu.memref_slice %arg6[%dma_wait3A_384, %dma_wait3A_385] : memref<64x1024xf32, #tpu.memory_space<vmem>> -> memref<8x1024xf32, #tpu.memory_space<vmem>>
    %dma_wait3A_387 = arith.constant 0 : i32
    %dma_wait3A_388 = tpu.memref_slice %arg4[%select_n3A, %add3A_382, %dma_wait3A_387] : memref<4x8192x1024xf32, #tpu.memory_space<hbm>> -> memref<1x8x1024xf32, #tpu.memory_space<hbm>>
    %dma_wait3A_389 = tpu.memref_squeeze %dma_wait3A_388 : memref<1x8x1024xf32, #tpu.memory_space<hbm>> -> memref<8x1024xf32, #tpu.memory_space<hbm>>
    %dma_wait3A_390 = tpu.memref_slice %arg8[%dma_wait3A_383] : memref<8x!tpu.dma_semaphore, #tpu.memory_space<semaphore_mem>> -> memref<1x!tpu.dma_semaphore, #tpu.memory_space<semaphore_mem>>
    %dma_wait3A_391 = tpu.memref_squeeze %dma_wait3A_390 : memref<1x!tpu.dma_semaphore, #tpu.memory_space<semaphore_mem>> -> memref<!tpu.dma_semaphore, #tpu.memory_space<semaphore_mem>>
    %dma_wait3A_392 = arith.constant 0 : i32
    %dma_wait3A_393 = tpu.memref_slice %arg4[%select_n3A, %add3A_382, %dma_wait3A_392] : memref<4x8192x1024xf32, #tpu.memory_space<hbm>> -> memref<1x8x1024xf32, #tpu.memory_space<hbm>>
    %dma_wait3A_394 = tpu.memref_squeeze %dma_wait3A_393 : memref<1x8x1024xf32, #tpu.memory_space<hbm>> -> memref<8x1024xf32, #tpu.memory_space<hbm>>
    %dma_wait3A_395 = arith.constant 16 : i32
    %dma_wait3A_396 = arith.constant 0 : i32
    %dma_wait3A_397 = tpu.memref_slice %arg6[%dma_wait3A_395, %dma_wait3A_396] : memref<64x1024xf32, #tpu.memory_space<vmem>> -> memref<8x1024xf32, #tpu.memory_space<vmem>>
    tpu.wait_dma2 semaphore(%dma_wait3A_391 : memref<!tpu.dma_semaphore, #tpu.memory_space<semaphore_mem>>) src(%dma_wait3A_397 : memref<8x1024xf32, #tpu.memory_space<vmem>>) dst(%dma_wait3A_394 : memref<8x1024xf32, #tpu.memory_space<hbm>>)
    %add3A_398 = arith.constant 984 : i32
    %add3A_399 = arith.addi %mul3A_32, %add3A_398 : i32
    %dma_wait3A_400 = arith.constant 3 : i32
    %dma_wait3A_401 = arith.constant 24 : i32
    %dma_wait3A_402 = arith.constant 0 : i32
    %dma_wait3A_403 = tpu.memref_slice %arg6[%dma_wait3A_401, %dma_wait3A_402] : memref<64x1024xf32, #tpu.memory_space<vmem>> -> memref<8x1024xf32, #tpu.memory_space<vmem>>
    %dma_wait3A_404 = arith.constant 0 : i32
    %dma_wait3A_405 = tpu.memref_slice %arg4[%select_n3A, %add3A_399, %dma_wait3A_404] : memref<4x8192x1024xf32, #tpu.memory_space<hbm>> -> memref<1x8x1024xf32, #tpu.memory_space<hbm>>
    %dma_wait3A_406 = tpu.memref_squeeze %dma_wait3A_405 : memref<1x8x1024xf32, #tpu.memory_space<hbm>> -> memref<8x1024xf32, #tpu.memory_space<hbm>>
    %dma_wait3A_407 = tpu.memref_slice %arg8[%dma_wait3A_400] : memref<8x!tpu.dma_semaphore, #tpu.memory_space<semaphore_mem>> -> memref<1x!tpu.dma_semaphore, #tpu.memory_space<semaphore_mem>>
    %dma_wait3A_408 = tpu.memref_squeeze %dma_wait3A_407 : memref<1x!tpu.dma_semaphore, #tpu.memory_space<semaphore_mem>> -> memref<!tpu.dma_semaphore, #tpu.memory_space<semaphore_mem>>
    %dma_wait3A_409 = arith.constant 0 : i32
    %dma_wait3A_410 = tpu.memref_slice %arg4[%select_n3A, %add3A_399, %dma_wait3A_409] : memref<4x8192x1024xf32, #tpu.memory_space<hbm>> -> memref<1x8x1024xf32, #tpu.memory_space<hbm>>
    %dma_wait3A_411 = tpu.memref_squeeze %dma_wait3A_410 : memref<1x8x1024xf32, #tpu.memory_space<hbm>> -> memref<8x1024xf32, #tpu.memory_space<hbm>>
    %dma_wait3A_412 = arith.constant 24 : i32
    %dma_wait3A_413 = arith.constant 0 : i32
    %dma_wait3A_414 = tpu.memref_slice %arg6[%dma_wait3A_412, %dma_wait3A_413] : memref<64x1024xf32, #tpu.memory_space<vmem>> -> memref<8x1024xf32, #tpu.memory_space<vmem>>
    tpu.wait_dma2 semaphore(%dma_wait3A_408 : memref<!tpu.dma_semaphore, #tpu.memory_space<semaphore_mem>>) src(%dma_wait3A_414 : memref<8x1024xf32, #tpu.memory_space<vmem>>) dst(%dma_wait3A_411 : memref<8x1024xf32, #tpu.memory_space<hbm>>)
    %add3A_415 = arith.constant 992 : i32
    %add3A_416 = arith.addi %mul3A_32, %add3A_415 : i32
    %dma_wait3A_417 = arith.constant 4 : i32
    %dma_wait3A_418 = arith.constant 32 : i32
    %dma_wait3A_419 = arith.constant 0 : i32
    %dma_wait3A_420 = tpu.memref_slice %arg6[%dma_wait3A_418, %dma_wait3A_419] : memref<64x1024xf32, #tpu.memory_space<vmem>> -> memref<8x1024xf32, #tpu.memory_space<vmem>>
    %dma_wait3A_421 = arith.constant 0 : i32
    %dma_wait3A_422 = tpu.memref_slice %arg4[%select_n3A, %add3A_416, %dma_wait3A_421] : memref<4x8192x1024xf32, #tpu.memory_space<hbm>> -> memref<1x8x1024xf32, #tpu.memory_space<hbm>>
    %dma_wait3A_423 = tpu.memref_squeeze %dma_wait3A_422 : memref<1x8x1024xf32, #tpu.memory_space<hbm>> -> memref<8x1024xf32, #tpu.memory_space<hbm>>
    %dma_wait3A_424 = tpu.memref_slice %arg8[%dma_wait3A_417] : memref<8x!tpu.dma_semaphore, #tpu.memory_space<semaphore_mem>> -> memref<1x!tpu.dma_semaphore, #tpu.memory_space<semaphore_mem>>
    %dma_wait3A_425 = tpu.memref_squeeze %dma_wait3A_424 : memref<1x!tpu.dma_semaphore, #tpu.memory_space<semaphore_mem>> -> memref<!tpu.dma_semaphore, #tpu.memory_space<semaphore_mem>>
    %dma_wait3A_426 = arith.constant 0 : i32
    %dma_wait3A_427 = tpu.memref_slice %arg4[%select_n3A, %add3A_416, %dma_wait3A_426] : memref<4x8192x1024xf32, #tpu.memory_space<hbm>> -> memref<1x8x1024xf32, #tpu.memory_space<hbm>>
    %dma_wait3A_428 = tpu.memref_squeeze %dma_wait3A_427 : memref<1x8x1024xf32, #tpu.memory_space<hbm>> -> memref<8x1024xf32, #tpu.memory_space<hbm>>
    %dma_wait3A_429 = arith.constant 32 : i32
    %dma_wait3A_430 = arith.constant 0 : i32
    %dma_wait3A_431 = tpu.memref_slice %arg6[%dma_wait3A_429, %dma_wait3A_430] : memref<64x1024xf32, #tpu.memory_space<vmem>> -> memref<8x1024xf32, #tpu.memory_space<vmem>>
    tpu.wait_dma2 semaphore(%dma_wait3A_425 : memref<!tpu.dma_semaphore, #tpu.memory_space<semaphore_mem>>) src(%dma_wait3A_431 : memref<8x1024xf32, #tpu.memory_space<vmem>>) dst(%dma_wait3A_428 : memref<8x1024xf32, #tpu.memory_space<hbm>>)
    %add3A_432 = arith.constant 1000 : i32
    %add3A_433 = arith.addi %mul3A_32, %add3A_432 : i32
    %dma_wait3A_434 = arith.constant 5 : i32
    %dma_wait3A_435 = arith.constant 40 : i32
    %dma_wait3A_436 = arith.constant 0 : i32
    %dma_wait3A_437 = tpu.memref_slice %arg6[%dma_wait3A_435, %dma_wait3A_436] : memref<64x1024xf32, #tpu.memory_space<vmem>> -> memref<8x1024xf32, #tpu.memory_space<vmem>>
    %dma_wait3A_438 = arith.constant 0 : i32
    %dma_wait3A_439 = tpu.memref_slice %arg4[%select_n3A, %add3A_433, %dma_wait3A_438] : memref<4x8192x1024xf32, #tpu.memory_space<hbm>> -> memref<1x8x1024xf32, #tpu.memory_space<hbm>>
    %dma_wait3A_440 = tpu.memref_squeeze %dma_wait3A_439 : memref<1x8x1024xf32, #tpu.memory_space<hbm>> -> memref<8x1024xf32, #tpu.memory_space<hbm>>
    %dma_wait3A_441 = tpu.memref_slice %arg8[%dma_wait3A_434] : memref<8x!tpu.dma_semaphore, #tpu.memory_space<semaphore_mem>> -> memref<1x!tpu.dma_semaphore, #tpu.memory_space<semaphore_mem>>
    %dma_wait3A_442 = tpu.memref_squeeze %dma_wait3A_441 : memref<1x!tpu.dma_semaphore, #tpu.memory_space<semaphore_mem>> -> memref<!tpu.dma_semaphore, #tpu.memory_space<semaphore_mem>>
    %dma_wait3A_443 = arith.constant 0 : i32
    %dma_wait3A_444 = tpu.memref_slice %arg4[%select_n3A, %add3A_433, %dma_wait3A_443] : memref<4x8192x1024xf32, #tpu.memory_space<hbm>> -> memref<1x8x1024xf32, #tpu.memory_space<hbm>>
    %dma_wait3A_445 = tpu.memref_squeeze %dma_wait3A_444 : memref<1x8x1024xf32, #tpu.memory_space<hbm>> -> memref<8x1024xf32, #tpu.memory_space<hbm>>
    %dma_wait3A_446 = arith.constant 40 : i32
    %dma_wait3A_447 = arith.constant 0 : i32
    %dma_wait3A_448 = tpu.memref_slice %arg6[%dma_wait3A_446, %dma_wait3A_447] : memref<64x1024xf32, #tpu.memory_space<vmem>> -> memref<8x1024xf32, #tpu.memory_space<vmem>>
    tpu.wait_dma2 semaphore(%dma_wait3A_442 : memref<!tpu.dma_semaphore, #tpu.memory_space<semaphore_mem>>) src(%dma_wait3A_448 : memref<8x1024xf32, #tpu.memory_space<vmem>>) dst(%dma_wait3A_445 : memref<8x1024xf32, #tpu.memory_space<hbm>>)
    %add3A_449 = arith.constant 1008 : i32
    %add3A_450 = arith.addi %mul3A_32, %add3A_449 : i32
    %dma_wait3A_451 = arith.constant 6 : i32
    %dma_wait3A_452 = arith.constant 48 : i32
    %dma_wait3A_453 = arith.constant 0 : i32
    %dma_wait3A_454 = tpu.memref_slice %arg6[%dma_wait3A_452, %dma_wait3A_453] : memref<64x1024xf32, #tpu.memory_space<vmem>> -> memref<8x1024xf32, #tpu.memory_space<vmem>>
    %dma_wait3A_455 = arith.constant 0 : i32
    %dma_wait3A_456 = tpu.memref_slice %arg4[%select_n3A, %add3A_450, %dma_wait3A_455] : memref<4x8192x1024xf32, #tpu.memory_space<hbm>> -> memref<1x8x1024xf32, #tpu.memory_space<hbm>>
    %dma_wait3A_457 = tpu.memref_squeeze %dma_wait3A_456 : memref<1x8x1024xf32, #tpu.memory_space<hbm>> -> memref<8x1024xf32, #tpu.memory_space<hbm>>
    %dma_wait3A_458 = tpu.memref_slice %arg8[%dma_wait3A_451] : memref<8x!tpu.dma_semaphore, #tpu.memory_space<semaphore_mem>> -> memref<1x!tpu.dma_semaphore, #tpu.memory_space<semaphore_mem>>
    %dma_wait3A_459 = tpu.memref_squeeze %dma_wait3A_458 : memref<1x!tpu.dma_semaphore, #tpu.memory_space<semaphore_mem>> -> memref<!tpu.dma_semaphore, #tpu.memory_space<semaphore_mem>>
    %dma_wait3A_460 = arith.constant 0 : i32
    %dma_wait3A_461 = tpu.memref_slice %arg4[%select_n3A, %add3A_450, %dma_wait3A_460] : memref<4x8192x1024xf32, #tpu.memory_space<hbm>> -> memref<1x8x1024xf32, #tpu.memory_space<hbm>>
    %dma_wait3A_462 = tpu.memref_squeeze %dma_wait3A_461 : memref<1x8x1024xf32, #tpu.memory_space<hbm>> -> memref<8x1024xf32, #tpu.memory_space<hbm>>
    %dma_wait3A_463 = arith.constant 48 : i32
    %dma_wait3A_464 = arith.constant 0 : i32
    %dma_wait3A_465 = tpu.memref_slice %arg6[%dma_wait3A_463, %dma_wait3A_464] : memref<64x1024xf32, #tpu.memory_space<vmem>> -> memref<8x1024xf32, #tpu.memory_space<vmem>>
    tpu.wait_dma2 semaphore(%dma_wait3A_459 : memref<!tpu.dma_semaphore, #tpu.memory_space<semaphore_mem>>) src(%dma_wait3A_465 : memref<8x1024xf32, #tpu.memory_space<vmem>>) dst(%dma_wait3A_462 : memref<8x1024xf32, #tpu.memory_space<hbm>>)
    %add3A_466 = arith.constant 1016 : i32
    %add3A_467 = arith.addi %mul3A_32, %add3A_466 : i32
    %dma_wait3A_468 = arith.constant 7 : i32
    %dma_wait3A_469 = arith.constant 56 : i32
    %dma_wait3A_470 = arith.constant 0 : i32
    %dma_wait3A_471 = tpu.memref_slice %arg6[%dma_wait3A_469, %dma_wait3A_470] : memref<64x1024xf32, #tpu.memory_space<vmem>> -> memref<8x1024xf32, #tpu.memory_space<vmem>>
    %dma_wait3A_472 = arith.constant 0 : i32
    %dma_wait3A_473 = tpu.memref_slice %arg4[%select_n3A, %add3A_467, %dma_wait3A_472] : memref<4x8192x1024xf32, #tpu.memory_space<hbm>> -> memref<1x8x1024xf32, #tpu.memory_space<hbm>>
    %dma_wait3A_474 = tpu.memref_squeeze %dma_wait3A_473 : memref<1x8x1024xf32, #tpu.memory_space<hbm>> -> memref<8x1024xf32, #tpu.memory_space<hbm>>
    %dma_wait3A_475 = tpu.memref_slice %arg8[%dma_wait3A_468] : memref<8x!tpu.dma_semaphore, #tpu.memory_space<semaphore_mem>> -> memref<1x!tpu.dma_semaphore, #tpu.memory_space<semaphore_mem>>
    %dma_wait3A_476 = tpu.memref_squeeze %dma_wait3A_475 : memref<1x!tpu.dma_semaphore, #tpu.memory_space<semaphore_mem>> -> memref<!tpu.dma_semaphore, #tpu.memory_space<semaphore_mem>>
    %dma_wait3A_477 = arith.constant 0 : i32
    %dma_wait3A_478 = tpu.memref_slice %arg4[%select_n3A, %add3A_467, %dma_wait3A_477] : memref<4x8192x1024xf32, #tpu.memory_space<hbm>> -> memref<1x8x1024xf32, #tpu.memory_space<hbm>>
    %dma_wait3A_479 = tpu.memref_squeeze %dma_wait3A_478 : memref<1x8x1024xf32, #tpu.memory_space<hbm>> -> memref<8x1024xf32, #tpu.memory_space<hbm>>
    %dma_wait3A_480 = arith.constant 56 : i32
    %dma_wait3A_481 = arith.constant 0 : i32
    %dma_wait3A_482 = tpu.memref_slice %arg6[%dma_wait3A_480, %dma_wait3A_481] : memref<64x1024xf32, #tpu.memory_space<vmem>> -> memref<8x1024xf32, #tpu.memory_space<vmem>>
    tpu.wait_dma2 semaphore(%dma_wait3A_476 : memref<!tpu.dma_semaphore, #tpu.memory_space<semaphore_mem>>) src(%dma_wait3A_482 : memref<8x1024xf32, #tpu.memory_space<vmem>>) dst(%dma_wait3A_479 : memref<8x1024xf32, #tpu.memory_space<hbm>>)
    return
  }
}

</mosaic_0001>

<sc_bundles>
// kernel: kernel.3.cloned.1.call-start
scs
__scs_entry_jumppad:
0x0: {  	(pc) =	sbr.rel $0x88, $3  }
0x1: {  	(tag) =	ssettag $0x0;
	lr =	simm.s32 $0x1  }
0x2: {  	[smem:$0x3F9F] =	sst lr;
	_ =	strace $0xD0000000  }
0x3: {  	_ = 	snop  }
0x4: {  	_ = 	snop  }
0x5: {  	_ = 	snop  }
0x6: {  	_ = 	snop  }
0x7: {  	_ = 	snop  }
__scs_overlays_trampoline_lowered:
0x8: {  	[smem:$0x3FAE] =	sst s0  }
0x9: {  	[smem:$0x3FAF] =	sst s1  }
0xa: {  	[smem:$0x3FB0] =	sst s2  }
0xb: {  	[smem:$0x3FB1] =	sst s3  }
0xc: {  	[smem:$0x3FB2] =	sst s4  }
0xd: {  	[smem:$0x3FB3] =	sst s5  }
0xe: {  	[smem:$0x3FB4] =	sst s6  }
0xf: {  	[smem:$0x3FB5] =	sst s7  }
0x10: {  	[smem:$0x3FB6] =	sst s8  }
0x11: {  	[smem:$0x3FB7] =	sst s9;
	s0 =	simm.s32 @!p0 $0x0  }
0x12: {  	s1 =	sld [smem:$0x3F9D];
	s0 =	simm.s32 @p0 $0x1  }
0x13: {  	[smem:$0x3FB8] =	sst s0;
	s0 =	simm.s32 @!p1 $0x0  }
0x14: {  	s2 =	sld [smem:$0x3F9C];
	s0 =	simm.s32 @p1 $0x1  }
0x15: {  	[smem:$0x3FB9] =	sst s0;
	s0 =	simm.s32 @!p2 $0x0  }
0x16: {  	s3 =	sld [smem:$0x3FDB];
	s0 =	simm.s32 @p2 $0x1  }
0x17: {  	s4 =	simm.s32 $0x1BF5;
	[smem:$0x3FBB] =	sst s0  }
0x18: {  	s0 =	sld [smem:$0x3F9E];
	_ =	swait.ge [sflag:s4], $0x0  }
0x19: {  	s7 =	sld [smem:$0x3F9F]  }
0x1a: {  	s8 =	sadd.s32 $0xFFFFE003, lr  }
0x1b: {  	s9 =	sadd.s32 $0xFFFFFEF7, lr;
	s5 =	simm.s32 $0xFFFFFFFF;
	p2 =	slt.u32 s8, $0xFFFFF086  }
0x1c: {  	p1 =	slt.u32 s9, $0xF7A;
	s5 =	simm.s32 @!p2 $0x0  }
0x1d: {  	s5 =	simm.s32 @p1 $0x1;
	p0 =	seq.s32 s7, s2  }
0x1e: {  	s7 =	smul.u32 @!p0 $0xF7A, s2;
	p2 =	seq.s32 @!p0 s5, $0x0  }
0x1f: {  	s9 =	smul.u32 $0xF7A, s1;
	s8 =	simm.s32 @!p0 $0x1BF5;
	p2 =	por !p2, p0  }
0x20: {  	[sflag:s8] =	ssyncset.s32 @!p0 $0xFFFFF086;
	s6 =	sadd.s32 @!p0 s3, s7;
	s7 =	simm.s32 @!p0 $0x108  }
0x21: {  	s3 =	sadd.s32 s3, s9;
	s6 =	sadd.s32 @!p0 $0x88, s6;
	s7 =	simm.s32 @p2 $0x1082  }
0x22: {  	[simem:s7], [sflag:s8] =	dma.local @!p0 [hbm:s6], $0xF7A  }
0x23: {  	s9 =	sor.u32 $0xD0000000, s2;
	s6 =	simm.s32 $0x108;
	_ =	swait.ge @!p0 [sflag:s8], $0x0  }
0x24: {  	s3 =	sadd.s32 $0x88, s3;
	s6 =	simm.s32 @!p1 $0x1082;
	[sflag:s4] =	ssyncset.s32 $0xFFFFF086  }
0x25: {  	[simem:s6], [sflag:s4] =	dma.local [hbm:s3], $0xF7A  }
0x26: {  	[smem:$0x3F9F] =	sst s1;
	(tag) =	ssettag s2;
	_ =	strace s9  }
0x27: {  	s1 =	sld [smem:$0x3FAF]  }
0x28: {  	s2 =	sld [smem:$0x3FB0]  }
0x29: {  	s4 =	sld [smem:$0x3FB2]  }
0x2a: {  	p0 =	seq.s32 s5, $0x0;
	s5 =	sld [smem:$0x3FB3]  }
0x2b: {  	s6 =	sld [smem:$0x3FB4]  }
0x2c: {  	s7 =	sld [smem:$0x3FB5]  }
0x2d: {  	s3 =	simm.s32 $0x108;
	s8 =	sld [smem:$0x3FB6]  }
0x2e: {  	s3 =	simm.s32 @!p0 $0x1082;
	s9 =	sld [smem:$0x3FB7]  }
0x2f: {  	lr =	sadd.s32 s0, s3;
	s0 =	sld [smem:$0x3FAE]  }
0x30: {  	s3 =	sld [smem:$0x3FB1]  }
0x31: {  	[smem:$0x3FBA] =	sst s10  }
0x32: {  	s10 =	sld [smem:$0x3FB8];
	_ =	sdelay $0x3  }
0x33: {  	p0 =	seq.s32 s10, $0x1;
	s10 =	sld [smem:$0x3FBA];
	_ =	sdelay $0x3  }
0x34: {  	[smem:$0x3FBA] =	sst s10  }
0x35: {  	s10 =	sld [smem:$0x3FB9];
	_ =	sdelay $0x3  }
0x36: {  	p1 =	seq.s32 s10, $0x1;
	s10 =	sld [smem:$0x3FBA];
	_ =	sdelay $0x3  }
0x37: {  	[smem:$0x3FBA] =	sst s10  }
0x38: {  	s10 =	sld [smem:$0x3FBB]  }
0x39: {  	_ = 	snop;
	(pc) =	sbr.ind lr, $3  }
0x3a: {  	_ = 	snop  }
0x3b: {  	_ = 	snop  }
0x3c: {  	p2 =	seq.s32 s10, $0x1;
	s10 =	sld [smem:$0x3FBA]  }
0x3d: {  	_ =	shalt  }
0x3e: {  	_ =	shalt  }
0x3f: {  	_ =	shalt  }
0x40: {  	_ =	shalt  }
0x41: {  	_ =	shalt  }
0x42: {  	_ =	shalt  }
0x43: {  	_ =	shalt  }
0x44: {  	_ =	shalt  }
0x45: {  	_ =	shalt  }
0x46: {  	_ =	shalt  }
0x47: {  	_ =	shalt  }
0x48: {  	_ =	shalt  }
0x49: {  	_ =	shalt  }
0x4a: {  	_ =	shalt  }
0x4b: {  	_ =	shalt  }
0x4c: {  	_ =	shalt  }
0x4d: {  	_ =	shalt  }
0x4e: {  	_ =	shalt  }
0x4f: {  	_ =	shalt  }
0x50: {  	_ =	shalt  }
0x51: {  	_ =	shalt  }
0x52: {  	_ =	shalt  }
0x53: {  	_ =	shalt  }
0x54: {  	_ =	shalt  }
0x55: {  	_ =	shalt  }
0x56: {  	_ =	shalt  }
0x57: {  	_ =	shalt  }
0x58: {  	_ =	shalt  }
0x59: {  	_ =	shalt  }
0x5a: {  	_ =	shalt  }
0x5b: {  	_ =	shalt  }
0x5c: {  	_ =	shalt  }
0x5d: {  	_ =	shalt  }
0x5e: {  	_ =	shalt  }
0x5f: {  	_ =	shalt  }
0x60: {  	_ =	shalt  }
0x61: {  	_ =	shalt  }
0x62: {  	_ =	shalt  }
0x63: {  	_ =	shalt  }
0x64: {  	_ =	shalt  }
0x65: {  	_ =	shalt  }
0x66: {  	_ =	shalt  }
0x67: {  	_ =	shalt  }
0x68: {  	_ =	shalt  }
0x69: {  	_ =	shalt  }
0x6a: {  	_ =	shalt  }
0x6b: {  	_ =	shalt  }
0x6c: {  	_ =	shalt  }
0x6d: {  	_ =	shalt  }
0x6e: {  	_ =	shalt  }
0x6f: {  	_ =	shalt  }
0x70: {  	_ =	shalt  }
0x71: {  	_ =	shalt  }
0x72: {  	_ =	shalt  }
0x73: {  	_ =	shalt  }
0x74: {  	_ =	shalt  }
0x75: {  	_ =	shalt  }
0x76: {  	_ =	shalt  }
0x77: {  	_ =	shalt  }
0x78: {  	_ =	shalt  }
0x79: {  	_ =	shalt  }
0x7a: {  	_ =	shalt  }
0x7b: {  	_ =	shalt  }
0x7c: {  	_ =	shalt  }
0x7d: {  	_ =	shalt  }
0x7e: {  	_ =	shalt  }
0x7f: {  	_ =	shalt  }
0x80: {  	_ =	shalt  }
0x81: {  	_ =	shalt  }
0x82: {  	_ =	shalt  }
0x83: {  	_ =	shalt  }
0x84: {  	_ =	shalt  }
0x85: {  	_ =	shalt  }
0x86: {  	_ =	shalt  }
0x87: {  	_ =	shalt  }
.Lfunc_end0:
.L_simem_size_0:
called_computation_lowered:
.L_overlay_start_0:
0x88: {  	s2 =	sld [smem:$0x3FD9]  }
0x89: {  	s3 =	sld [smem:$0x3FFE];
	_ =	sdelay $0x1  }
0x8a: {  	s1 =	srdreg.scid  }
0x8b: {  	s0 =	sand.u32 $0x1, s1  }
0x8c: {  	s18 =	sshll.u32 s0, $0xA;
	s2 =	sadd.s32 s3, s2  }
0x8d: {  	s2 =	sadd.s32 s2, s18  }
0x8e: {  	[smem:$0x3FC6] =	sst s2  }
0x8f: {  	_ = 	snop  }
0x90: {  	s2 =	sld [smem:$0x3FC9]  }
0x91: {  	s19 =	sld [smem:$0x3FC8]  }
0x92: {  	s4 =	sld [smem:$0x3FD0];
	(tm) =	ssettm $0x1  }
0x93: {  	s5 =	sld [smem:$0x3FFB];
	_ =	sdelay $0x3  }
0x94: {  	_ =	strace s5  }
0x95: {  	s5 =	sld [smem:$0x3FFC];
	_ =	sdelay $0x3  }
0x96: {  	_ =	strace s5  }
0x97: {  	s5 =	sld [smem:$0x3FFD];
	_ =	sdelay $0x3  }
0x98: {  	_ =	strace s5  }
0x99: {  	_ =	strace $0x8FFFFFFF  }
0x9a: {  	s20 =	sld [smem:$0x3FDB];
	_ =	sdelay $0x1  }
0x9b: {  	s6 =	simm.s32 $_scs_section_size  }
0x9c: {  	s7 =	simm.s32 $_size__tile_overlayer_lowered;
	s8 =	simm.s32 $_tile_overlayer_lowered  }
0x9d: {  	s23 =	simm.s32 $0x1BFF;
	s22 =	sshll.u32 s8, $0x1;
	s5 =	sadd.s32 s6, s20  }
0x9e: {  	s9 =	simm.s32 $0x0;
	s21 =	sshll.u32 s7, $0x1;
	s7 =	sadd.s32 s22, s5  }
0x9f: {  	[timem:s9], [sflag:s23] =	dma.local [hbm:s7], s21  }
0xa0: {  	_ =	swait.ge [sflag:s23], s21  }
0xa1: {  	s6 =	ssub.s32 $0x0, s21;
	[sflag:s23] =	ssyncset.done $0x0  }
0xa2: {  	[sflag:s23] =	ssyncadd.s32 s6;
	_ =	sdelay $0x1  }
0xa3: {  	s24 =	simm.s32 $0x1B8B  }
0xa4: {  	_ =	swait.ge [sflag:s24], $0x1  }
0xa5: {  	[sflag:s24] =	ssyncset.done $0x0  }
0xa6: {  	s25 =	simm.s32 $0x1B8E;
	[sflag:s24] =	ssyncadd.s32 $0xFFFFFFFF  }
0xa7: {  	s26 =	simm.s32 $execute0_lowered;
	[smem:$0x3FD2] =	sst s25  }
0xa8: {  	s6 =	sshll.u32 s26, $0x1;
	_ =	strace $0x80000046;
	[dreg:$0x1] =	wrdreg $0xFFFFFFFF  }
0xa9: {  	s28 =	simm.s32 $_size_execute0_lowered;
	s5 =	sadd.s32 s5, s6;
	[dreg:$0x0] =	wrdreg $0x0  }
0xaa: {  	s6 =	sshll.u32 s28, $0x1;
	[dreg:$0x2] =	wrdreg s5  }
0xab: {  	[dreg:$0x3] =	wrdreg s6  }
0xac: {  	[dreg:$0x4] =	wrdreg $0xC0  }
0xad: {  	_ =	task [dreg:s9], $0x5FFFF  }
0xae: {  	[dreg:$0x1] =	wrdreg $0xFFFFFFFF  }
0xaf: {  	[dreg:$0x0] =	wrdreg $0x60  }
0xb0: {  	[dreg:$0x2] =	wrdreg s19  }
0xb1: {  	[dreg:$0x3] =	wrdreg s2  }
0xb2: {  	[dreg:$0x4] =	wrdreg s4  }
0xb3: {  	[dreg:$0x5] =	wrdreg $0x9  }
0xb4: {  	_ =	task.clear_ibuf [dreg:s9], $0x6FFFF;
	_ =	strace $0x90000046  }
0xb5: {  	s29 =	simm.s32 $0x9;
	_ =	strace $0x80000048  }
0xb6: {  	_ =	swait.ge [sflag:s29], $0x1  }
0xb7: {  	[sflag:s29] =	ssyncadd.s32 $0xFFFFFFFF  }
0xb8: {  	_ =	strace $0x90000048  }
0xb9: {  	_ =	sfence  }
0xba: {  	s30 =	sld [smem:$0x0];
	_ =	sdelay $0x2  }
0xbb: {  	s31 =	sshll.u32 s1, $0xD;
	s1 =	sshrl.u32 s1, $0x2  }
0xbc: {  	s3 =	sand.u32 $0x4000, s31;
	s1 =	sadd.s32 s1, s30  }
0xbd: {  	s0 =	sor.u32 s3, s0;
	s1 =	sshll.u32 s1, $0x11  }
0xbe: {  	s0 =	sor.u32 s1, s0  }
0xbf: {  	s0 =	sadd.s32 $0x8F2B, s0  }
0xc0: {  	[sflag:s0] =	ssyncadd.remote.s32 $0x1  }
0xc1: {  	_ =	sfence.sel $0xFFFF  }
0xc2: {  	[dreg:$0x0] =	wrdreg $0xFFFFFFFF;
	(pc) =	sbr.abs _section_cstart, $3  }
0xc3: {  	[dreg:$0x1] =	wrdreg $0xFFFFFFFF  }
0xc4: {  	_ =	task.clear_ibuf [dreg:s9], $0x2FFFF;
	_ =	strace $0x9FFFFFFF  }
0xc5: {  	(tm) =	ssettm $0x7FFFFFFF  }
tec
execute0_lowered:
.L_overlay_start_1:
0x0: {  	(tag) =	ssettag $0x1  }
0x1: {  	s1 =	rddreg [dreg:$0x0]  }
0x2: {  	s0 =	rddreg [dreg:$0x1]  }
0x3: {  	s2 =	rddreg [dreg:$0x2]  }
0x4: {  	s4 =	srdreg.scid;
	s3 =	simm.s32 $0x0;
	s10 =	stileid.u32  }
0x5: {  	s29 =	simm.s32 $0x4400;
	s30 =	simm.s32 $0x1;
	s31 =	simm.s32 $0x2  }
0x6: {  	s28 =	simm.s32 $0xD400;
	s4 =	sand.u32 $0x1, s4;
	[smem:$0x7FF] =	sst s3  }
0x7: {  	s6 =	sshll.u32 s10, $0x1;
	s25 =	sshrl.u32 s10, $0x2;
	s10 =	sand.u32 $0x3, s10  }
0x8: {  	s5 =	ssub.s32 $0x2, s4;
	_ =	strace $0x80000047;
	s6 =	sand.u32 $0x6, s6  }
0x9: {  	s26 =	sshll.u32 s25, $0x4;
	s9 =	sshll.u32 s25, $0x17;
	s10 =	sshll.u32 s10, $0x15  }
0xa: {  	s7 =	sshrl.u32 s5, $0x1;
	s6 =	sor.u32 s4, s6;
	s0 =	sadd.s32 s0, s26  }
0xb: {  	s4 =	sshll.u32 s4, $0x14;
	s8 =	ssub.s32 s5, s7;
	s11 =	sshll.u32 s6, $0x14  }
0xc: {  	s6 =	sshll.u32 s6, $0x9;
	s5 =	sadd.s32 $0x100, s1;
	s7 =	sadd.s32 $0x300, s1  }
0xd: {  	s12 =	sor.u32 s9, s11;
	s0 =	sadd.s32 s6, s0;
	s6 =	sadd.s32 $0x200, s1  }
0xe: {  	s9 =	sor.u32 s10, s9;
	s26 =	smax.u32 s8, $0x1;
	s8 =	simm.s32 $0x8400  }
0xf: {  	[dreg:$0x8] =	wrdreg s0;
	s13 =	sshrl.u32 s12, $0x3;
	s4 =	sor.u32 s4, s9  }
0x10: {  	[dreg:$0x11] =	wrdreg s26;
	s26 =	simm.s32 $0x400;
	s0 =	sadd.s32 s13, s2  }
0x11: {  	s19 =	sshrl.u32 s4, $0x3;
	s21 =	sor.u32 $0x4000, s4;
	s11 =	sadd.s32 $0x1E000, s0  }
0x12: {  	s23 =	sor.u32 $0x8000, s4;
	s14 =	sadd.s32 $0x1E400, s0;
	[dreg:$0x9] =	wrdreg s11  }
0x13: {  	s4 =	sor.u32 $0xC000, s4;
	s15 =	sadd.s32 $0x1E800, s0;
	[dreg:$0xa] =	wrdreg s14  }
0x14: {  	s13 =	simm.s32 $0xD;
	s16 =	sadd.s32 $0x1EC00, s0;
	[dreg:$0xb] =	wrdreg s15  }
0x15: {  	s17 =	sadd.s32 $0x1F000, s0;
	s18 =	sadd.s32 $0x1F400, s0;
	[dreg:$0xc] =	wrdreg s16  }
0x16: {  	s20 =	sadd.s32 $0x1F800, s0;
	s9 =	sadd.s32 s19, s2;
	[dreg:$0xd] =	wrdreg s17  }
0x17: {  	s22 =	sshrl.u32 s21, $0x3;
	s10 =	sshrl.u32 s23, $0x3;
	[dreg:$0xe] =	wrdreg s18  }
0x18: {  	s4 =	sshrl.u32 s4, $0x3;
	s0 =	sadd.s32 $0x1FC00, s0;
	[dreg:$0xf] =	wrdreg s20  }
0x19: {  	s23 =	simm.s32 $0xDC00;
	s21 =	simm.s32 $0xEC00;
	[dreg:$0x4] =	wrdreg s9  }
0x1a: {  	s9 =	sadd.s32 s22, s2;
	s24 =	sadd.s32 s10, s2;
	[dreg:$0x10] =	wrdreg s0  }
0x1b: {  	s25 =	sadd.s32 s4, s2;
	s16 =	simm.s32 $0xC400;
	s0 =	simm.s32 $0x3  }
0x1c: {  	s17 =	simm.s32 $0x4;
	s18 =	simm.s32 $0x5;
	s4 =	simm.s32 $0x7  }
0x1d: {  	s10 =	simm.s32 $0x9;
	s11 =	simm.s32 $0xB;
	[dreg:$0x5] =	wrdreg s9  }
0x1e: {  	v0 =	vlaneseq.u32;
	s14 =	simm.s32 $0xF;
	s15 =	simm.s32 $0x0;
	[dreg:$0x6] =	wrdreg s24  }
0x1f: {  	v1 =	vshrl.u32 v0, $0x3;
	s22 =	simm.s32 $0xF400;
	s20 =	simm.s32 $0xFC00;
	[dreg:$0x7] =	wrdreg s25  }
0x20: {  	vm0 =	vmmov $0xffff;
	v0 =	vand.u32 $0x7, v0;
	v1 =	vmul.u32 $0x8, v1;
	s25 =	simm.s32 $0x400;
	s24 =	simm.s32 $0x6;
	s9 =	simm.s32 $0x8  }
.LBB2_1:
0x21: {  	[dreg:$0x12] =	wrdreg s15  }
0x22: {  	s2 =	rddreg [dreg:$0x8]  }
0x23: {  	s12 =	simm.s32 $0x80;
	s19 =	simm.s32 $0x200;
	s15 =	simm.s32 $0x11  }
0x24: {  	[tilespmem:s3], [sflag:$0x11] =	stream.strided.gather [hbm4b:s2+s12], $0x400, s19, s12, $0x38;
	[tilespmem:$0x10400] =	vst v63  }
0x25: {  	_ =	swait.ge [sflag:s15], $0x400  }
0x26: {  	[sflag:s15] =	ssyncset.done $0x0  }
0x27: {  	[sflag:s15] =	ssyncadd.s32 $0xFFFFFC00  }
0x28: {  	v2 =	vld.msk [tilespmem:$0x0], $0xff;
	_ =	sdelay $0x4  }
0x29: {  	v3 =	vshll.u32 v2, $0x3  }
0x2a: {  	v2 =	vand.u32 $0x7, v2;
	v3 =	vand.u32 $0xFFFFFFC0, v3  }
0x2b: {  	v2 =	vor.u32 v2, v3  }
0x2c: {  	v2 =	vperm.xlane v2, v0;
	_ =	sdelay $0x1  }
0x2d: {  	v2 =	vadd.s32 v1, v2;
	_ =	sdelay $0x4  }
0x2e: {  	[tilespmem:s25], [sflag:$0x1] =	stream.indirect_vreg.gather [hbm4b:s1+s3], $0x80, v2, vm0, $0xb8;
	[tilespmem:$0x10400] =	vst v63  }
0x2f: {  	s19 =	simm.s32 $0xC00  }
0x30: {  	[tilespmem:s19], [sflag:$0x1] =	stream.indirect_vreg.gather [hbm4b:s5+s3], $0x80, v2, vm0, $0xb8;
	[tilespmem:$0x10400] =	vst v63  }
0x31: {  	s25 =	simm.s32 $0x1400  }
0x32: {  	[tilespmem:s25], [sflag:$0x1] =	stream.indirect_vreg.gather [hbm4b:s6+s3], $0x80, v2, vm0, $0xb8;
	[tilespmem:$0x10400] =	vst v63  }
0x33: {  	s12 =	simm.s32 $0x1C00  }
0x34: {  	[tilespmem:s12], [sflag:$0x1] =	stream.indirect_vreg.gather [hbm4b:s7+s3], $0x80, v2, vm0, $0xb8;
	[tilespmem:$0x10400] =	vst v63  }
0x35: {  	v2 =	vld.msk [tilespmem:$0x8], $0xff;
	_ =	sdelay $0x4  }
0x36: {  	v3 =	vshll.u32 v2, $0x3  }
0x37: {  	v2 =	vand.u32 $0x7, v2;
	v3 =	vand.u32 $0xFFFFFFC0, v3  }
0x38: {  	v2 =	vor.u32 v2, v3  }
0x39: {  	v2 =	vperm.xlane v2, v0;
	_ =	sdelay $0x1  }
0x3a: {  	v2 =	vadd.s32 v1, v2;
	_ =	sdelay $0x3  }
0x3b: {  	s15 =	simm.s32 $0x2400  }
0x3c: {  	[tilespmem:s15], [sflag:$0x2] =	stream.indirect_vreg.gather [hbm4b:s1+s3], $0x80, v2, vm0, $0xb8;
	[tilespmem:$0x10400] =	vst v63  }
0x3d: {  	s19 =	simm.s32 $0x2C00  }
0x3e: {  	[tilespmem:s19], [sflag:$0x2] =	stream.indirect_vreg.gather [hbm4b:s5+s3], $0x80, v2, vm0, $0xb8;
	[tilespmem:$0x10400] =	vst v63  }
0x3f: {  	s25 =	simm.s32 $0x3400  }
0x40: {  	[tilespmem:s25], [sflag:$0x2] =	stream.indirect_vreg.gather [hbm4b:s6+s3], $0x80, v2, vm0, $0xb8;
	[tilespmem:$0x10400] =	vst v63  }
0x41: {  	s12 =	simm.s32 $0x3C00  }
0x42: {  	[tilespmem:s12], [sflag:$0x2] =	stream.indirect_vreg.gather [hbm4b:s7+s3], $0x80, v2, vm0, $0xb8;
	[tilespmem:$0x10400] =	vst v63  }
0x43: {  	v2 =	vld.msk [tilespmem:$0x10], $0xff;
	_ =	sdelay $0x4  }
0x44: {  	v3 =	vshll.u32 v2, $0x3  }
0x45: {  	v2 =	vand.u32 $0x7, v2;
	v3 =	vand.u32 $0xFFFFFFC0, v3  }
0x46: {  	v2 =	vor.u32 v2, v3  }
0x47: {  	v2 =	vperm.xlane v2, v0;
	_ =	sdelay $0x1  }
0x48: {  	v2 =	vadd.s32 v1, v2;
	_ =	sdelay $0x4  }
0x49: {  	[tilespmem:s29], [sflag:$0x3] =	stream.indirect_vreg.gather [hbm4b:s1+s3], $0x80, v2, vm0, $0xb8;
	[tilespmem:$0x10400] =	vst v63  }
0x4a: {  	s15 =	simm.s32 $0x4C00  }
0x4b: {  	[tilespmem:s15], [sflag:$0x3] =	stream.indirect_vreg.gather [hbm4b:s5+s3], $0x80, v2, vm0, $0xb8;
	[tilespmem:$0x10400] =	vst v63  }
0x4c: {  	s19 =	simm.s32 $0x5400  }
0x4d: {  	[tilespmem:s19], [sflag:$0x3] =	stream.indirect_vreg.gather [hbm4b:s6+s3], $0x80, v2, vm0, $0xb8;
	[tilespmem:$0x10400] =	vst v63  }
0x4e: {  	s25 =	simm.s32 $0x5C00  }
0x4f: {  	[tilespmem:s25], [sflag:$0x3] =	stream.indirect_vreg.gather [hbm4b:s7+s3], $0x80, v2, vm0, $0xb8;
	[tilespmem:$0x10400] =	vst v63  }
0x50: {  	v2 =	vld.msk [tilespmem:$0x18], $0xff;
	_ =	sdelay $0x4  }
0x51: {  	v3 =	vshll.u32 v2, $0x3  }
0x52: {  	v2 =	vand.u32 $0x7, v2;
	v3 =	vand.u32 $0xFFFFFFC0, v3  }
0x53: {  	v2 =	vor.u32 v2, v3  }
0x54: {  	v2 =	vperm.xlane v2, v0;
	_ =	sdelay $0x1  }
0x55: {  	v2 =	vadd.s32 v1, v2;
	_ =	sdelay $0x3  }
0x56: {  	s12 =	simm.s32 $0x6400  }
0x57: {  	[tilespmem:s12], [sflag:$0x4] =	stream.indirect_vreg.gather [hbm4b:s1+s3], $0x80, v2, vm0, $0xb8;
	[tilespmem:$0x10400] =	vst v63  }
0x58: {  	s15 =	simm.s32 $0x6C00  }
0x59: {  	[tilespmem:s15], [sflag:$0x4] =	stream.indirect_vreg.gather [hbm4b:s5+s3], $0x80, v2, vm0, $0xb8;
	[tilespmem:$0x10400] =	vst v63  }
0x5a: {  	s19 =	simm.s32 $0x7400  }
0x5b: {  	[tilespmem:s19], [sflag:$0x4] =	stream.indirect_vreg.gather [hbm4b:s6+s3], $0x80, v2, vm0, $0xb8;
	[tilespmem:$0x10400] =	vst v63  }
0x5c: {  	s25 =	simm.s32 $0x7C00  }
0x5d: {  	[tilespmem:s25], [sflag:$0x4] =	stream.indirect_vreg.gather [hbm4b:s7+s3], $0x80, v2, vm0, $0xb8;
	[tilespmem:$0x10400] =	vst v63  }
0x5e: {  	v2 =	vld.msk [tilespmem:$0x20], $0xff;
	_ =	sdelay $0x4  }
0x5f: {  	v3 =	vshll.u32 v2, $0x3  }
0x60: {  	v2 =	vand.u32 $0x7, v2;
	v3 =	vand.u32 $0xFFFFFFC0, v3  }
0x61: {  	v2 =	vor.u32 v2, v3  }
0x62: {  	v2 =	vperm.xlane v2, v0;
	_ =	sdelay $0x1  }
0x63: {  	v2 =	vadd.s32 v1, v2;
	_ =	sdelay $0x4  }
0x64: {  	[tilespmem:s8], [sflag:$0x5] =	stream.indirect_vreg.gather [hbm4b:s1+s3], $0x80, v2, vm0, $0xb8;
	[tilespmem:$0x10400] =	vst v63  }
0x65: {  	s12 =	simm.s32 $0x8C00  }
0x66: {  	[tilespmem:s12], [sflag:$0x5] =	stream.indirect_vreg.gather [hbm4b:s5+s3], $0x80, v2, vm0, $0xb8;
	[tilespmem:$0x10400] =	vst v63  }
0x67: {  	s15 =	simm.s32 $0x9400  }
0x68: {  	[tilespmem:s15], [sflag:$0x5] =	stream.indirect_vreg.gather [hbm4b:s6+s3], $0x80, v2, vm0, $0xb8;
	[tilespmem:$0x10400] =	vst v63  }
0x69: {  	s19 =	simm.s32 $0x9C00  }
0x6a: {  	[tilespmem:s19], [sflag:$0x5] =	stream.indirect_vreg.gather [hbm4b:s7+s3], $0x80, v2, vm0, $0xb8;
	[tilespmem:$0x10400] =	vst v63  }
0x6b: {  	v2 =	vld.msk [tilespmem:$0x28], $0xff;
	_ =	sdelay $0x4  }
0x6c: {  	v3 =	vshll.u32 v2, $0x3  }
0x6d: {  	v2 =	vand.u32 $0x7, v2;
	v3 =	vand.u32 $0xFFFFFFC0, v3  }
0x6e: {  	v2 =	vor.u32 v2, v3  }
0x6f: {  	v2 =	vperm.xlane v2, v0;
	_ =	sdelay $0x1  }
0x70: {  	v2 =	vadd.s32 v1, v2;
	_ =	sdelay $0x3  }
0x71: {  	s25 =	simm.s32 $0xA400  }
0x72: {  	[tilespmem:s25], [sflag:$0x6] =	stream.indirect_vreg.gather [hbm4b:s1+s3], $0x80, v2, vm0, $0xb8;
	[tilespmem:$0x10400] =	vst v63  }
0x73: {  	s12 =	simm.s32 $0xAC00  }
0x74: {  	[tilespmem:s12], [sflag:$0x6] =	stream.indirect_vreg.gather [hbm4b:s5+s3], $0x80, v2, vm0, $0xb8;
	[tilespmem:$0x10400] =	vst v63  }
0x75: {  	s15 =	simm.s32 $0xB400  }
0x76: {  	[tilespmem:s15], [sflag:$0x6] =	stream.indirect_vreg.gather [hbm4b:s6+s3], $0x80, v2, vm0, $0xb8;
	[tilespmem:$0x10400] =	vst v63  }
0x77: {  	s19 =	simm.s32 $0xBC00  }
0x78: {  	[tilespmem:s19], [sflag:$0x6] =	stream.indirect_vreg.gather [hbm4b:s7+s3], $0x80, v2, vm0, $0xb8;
	[tilespmem:$0x10400] =	vst v63  }
0x79: {  	v2 =	vld.msk [tilespmem:$0x30], $0xff;
	_ =	sdelay $0x4  }
0x7a: {  	v3 =	vshll.u32 v2, $0x3  }
0x7b: {  	v2 =	vand.u32 $0x7, v2;
	v3 =	vand.u32 $0xFFFFFFC0, v3  }
0x7c: {  	v2 =	vor.u32 v2, v3  }
0x7d: {  	v2 =	vperm.xlane v2, v0;
	_ =	sdelay $0x1  }
0x7e: {  	v2 =	vadd.s32 v1, v2;
	_ =	sdelay $0x4  }
0x7f: {  	[tilespmem:s16], [sflag:$0x7] =	stream.indirect_vreg.gather [hbm4b:s1+s3], $0x80, v2, vm0, $0xb8;
	[tilespmem:$0x10400] =	vst v63  }
0x80: {  	s12 =	simm.s32 $0xCC00  }
0x81: {  	[tilespmem:s12], [sflag:$0x7] =	stream.indirect_vreg.gather [hbm4b:s5+s3], $0x80, v2, vm0, $0xb8;
	[tilespmem:$0x10400] =	vst v63  }
0x82: {  	_ = 	snop  }
0x83: {  	[tilespmem:s28], [sflag:$0x7] =	stream.indirect_vreg.gather [hbm4b:s6+s3], $0x80, v2, vm0, $0xb8;
	[tilespmem:$0x10400] =	vst v63  }
0x84: {  	_ = 	snop  }
0x85: {  	[tilespmem:s23], [sflag:$0x7] =	stream.indirect_vreg.gather [hbm4b:s7+s3], $0x80, v2, vm0, $0xb8;
	[tilespmem:$0x10400] =	vst v63  }
0x86: {  	v2 =	vld.msk [tilespmem:$0x38], $0xff;
	_ =	sdelay $0x4  }
0x87: {  	v3 =	vshll.u32 v2, $0x3  }
0x88: {  	v2 =	vand.u32 $0x7, v2;
	v3 =	vand.u32 $0xFFFFFFC0, v3  }
0x89: {  	v2 =	vor.u32 v2, v3  }
0x8a: {  	v2 =	vperm.xlane v2, v0;
	_ =	sdelay $0x1  }
0x8b: {  	v2 =	vadd.s32 v1, v2;
	_ =	sdelay $0x3  }
0x8c: {  	s25 =	simm.s32 $0xE400  }
0x8d: {  	[tilespmem:s25], [sflag:$0x8] =	stream.indirect_vreg.gather [hbm4b:s1+s3], $0x80, v2, vm0, $0xb8;
	[tilespmem:$0x10400] =	vst v63  }
0x8e: {  	_ = 	snop  }
0x8f: {  	[tilespmem:s21], [sflag:$0x8] =	stream.indirect_vreg.gather [hbm4b:s5+s3], $0x80, v2, vm0, $0xb8;
	[tilespmem:$0x10400] =	vst v63  }
0x90: {  	_ = 	snop  }
0x91: {  	[tilespmem:s22], [sflag:$0x8] =	stream.indirect_vreg.gather [hbm4b:s6+s3], $0x80, v2, vm0, $0xb8;
	[tilespmem:$0x10400] =	vst v63  }
0x92: {  	s2 =	simm.s32 $0x78;
	s15 =	simm.s32 $0x0  }
0x93: {  	[tilespmem:s20], [sflag:$0x8] =	stream.indirect_vreg.gather [hbm4b:s7+s3], $0x80, v2, vm0, $0xb8;
	[tilespmem:$0x10400] =	vst v63  }
.LBB2_2:
0x94: {  	_ =	swait.ge [sflag:s30], $0x2000  }
0x95: {  	[sflag:s30] =	ssyncset.done $0x0  }
0x96: {  	[sflag:s30] =	ssyncadd.s32 $0xFFFFE000  }
0x97: {  	_ =	swait.ge [sflag:s31], $0x2000  }
0x98: {  	s19 =	rddreg [dreg:$0x4];
	[sflag:s31] =	ssyncset.done $0x0  }
0x99: {  	[sflag:s31] =	ssyncadd.s32 $0xFFFFE000;
	s19 =	sadd.s32 s15, s19  }
0x9a: {  	[hbm4b:s19+s3] =	stream.linear.scatter [tilespmem:s26], [sflag:$0x9], $0x4000, $0x38;
	[tilespmem:$0x10400] =	vst v63  }
0x9b: {  	_ =	swait.ge [sflag:s0], $0x2000  }
0x9c: {  	[sflag:s0] =	ssyncset.done $0x0  }
0x9d: {  	[sflag:s0] =	ssyncadd.s32 $0xFFFFE000  }
0x9e: {  	_ =	swait.ge [sflag:s17], $0x2000  }
0x9f: {  	s25 =	rddreg [dreg:$0x5];
	[sflag:s17] =	ssyncset.done $0x0  }
0xa0: {  	[sflag:s17] =	ssyncadd.s32 $0xFFFFE000;
	s19 =	sadd.s32 s15, s25  }
0xa1: {  	[hbm4b:s19+s3] =	stream.linear.scatter [tilespmem:s29], [sflag:$0xB], $0x4000, $0x38;
	[tilespmem:$0x10400] =	vst v63  }
0xa2: {  	_ =	swait.ge [sflag:s18], $0x2000  }
0xa3: {  	[sflag:s18] =	ssyncset.done $0x0  }
0xa4: {  	[sflag:s18] =	ssyncadd.s32 $0xFFFFE000  }
0xa5: {  	_ =	swait.ge [sflag:s24], $0x2000  }
0xa6: {  	s25 =	rddreg [dreg:$0x6];
	[sflag:s24] =	ssyncset.done $0x0  }
0xa7: {  	[sflag:s24] =	ssyncadd.s32 $0xFFFFE000;
	s19 =	sadd.s32 s15, s25  }
0xa8: {  	[hbm4b:s19+s3] =	stream.linear.scatter [tilespmem:s8], [sflag:$0xD], $0x4000, $0x38;
	[tilespmem:$0x10400] =	vst v63  }
0xa9: {  	_ =	swait.ge [sflag:s4], $0x2000  }
0xaa: {  	[sflag:s4] =	ssyncset.done $0x0  }
0xab: {  	[sflag:s4] =	ssyncadd.s32 $0xFFFFE000  }
0xac: {  	_ =	swait.ge [sflag:s9], $0x2000  }
0xad: {  	s25 =	rddreg [dreg:$0x7];
	[sflag:s9] =	ssyncset.done $0x0  }
0xae: {  	[sflag:s9] =	ssyncadd.s32 $0xFFFFE000;
	s19 =	sadd.s32 s15, s25  }
0xaf: {  	[hbm4b:s19+s3] =	stream.linear.scatter [tilespmem:s16], [sflag:$0xF], $0x4000, $0x38;
	[tilespmem:$0x10400] =	vst v63  }
0xb0: {  	_ =	swait.ge [sflag:s10], $0x4000  }
0xb1: {  	[sflag:s10] =	ssyncset.done $0x0  }
0xb2: {  	[sflag:s10] =	ssyncadd.s32 $0xFFFFC000  }
0xb3: {  	v2 =	vld.msk [tilespmem:s2+$0xFFFFFFC8], $0xff;
	_ =	sdelay $0x4  }
0xb4: {  	v3 =	vshll.u32 v2, $0x3  }
0xb5: {  	v2 =	vand.u32 $0x7, v2;
	v3 =	vand.u32 $0xFFFFFFC0, v3  }
0xb6: {  	v2 =	vor.u32 v2, v3  }
0xb7: {  	v2 =	vperm.xlane v2, v0;
	_ =	sdelay $0x1  }
0xb8: {  	v2 =	vadd.s32 v1, v2;
	_ =	sdelay $0x4  }
0xb9: {  	[tilespmem:s26], [sflag:$0x1] =	stream.indirect_vreg.gather [hbm4b:s1+s3], $0x80, v2, vm0, $0xb8;
	[tilespmem:$0x10400] =	vst v63  }
0xba: {  	s19 =	simm.s32 $0xC00  }
0xbb: {  	[tilespmem:s19], [sflag:$0x1] =	stream.indirect_vreg.gather [hbm4b:s5+s3], $0x80, v2, vm0, $0xb8;
	[tilespmem:$0x10400] =	vst v63  }
0xbc: {  	s19 =	simm.s32 $0x1400  }
0xbd: {  	[tilespmem:s19], [sflag:$0x1] =	stream.indirect_vreg.gather [hbm4b:s6+s3], $0x80, v2, vm0, $0xb8;
	[tilespmem:$0x10400] =	vst v63  }
0xbe: {  	s19 =	simm.s32 $0x1C00  }
0xbf: {  	[tilespmem:s19], [sflag:$0x1] =	stream.indirect_vreg.gather [hbm4b:s7+s3], $0x80, v2, vm0, $0xb8;
	[tilespmem:$0x10400] =	vst v63  }
0xc0: {  	v2 =	vld.msk [tilespmem:s2+$0xFFFFFFD0], $0xff;
	_ =	sdelay $0x4  }
0xc1: {  	v3 =	vshll.u32 v2, $0x3  }
0xc2: {  	v2 =	vand.u32 $0x7, v2;
	v3 =	vand.u32 $0xFFFFFFC0, v3  }
0xc3: {  	v2 =	vor.u32 v2, v3  }
0xc4: {  	v2 =	vperm.xlane v2, v0;
	_ =	sdelay $0x1  }
0xc5: {  	v2 =	vadd.s32 v1, v2;
	_ =	sdelay $0x3  }
0xc6: {  	s19 =	simm.s32 $0x2400  }
0xc7: {  	[tilespmem:s19], [sflag:$0x2] =	stream.indirect_vreg.gather [hbm4b:s1+s3], $0x80, v2, vm0, $0xb8;
	[tilespmem:$0x10400] =	vst v63  }
0xc8: {  	s19 =	simm.s32 $0x2C00  }
0xc9: {  	[tilespmem:s19], [sflag:$0x2] =	stream.indirect_vreg.gather [hbm4b:s5+s3], $0x80, v2, vm0, $0xb8;
	[tilespmem:$0x10400] =	vst v63  }
0xca: {  	s19 =	simm.s32 $0x3400  }
0xcb: {  	[tilespmem:s19], [sflag:$0x2] =	stream.indirect_vreg.gather [hbm4b:s6+s3], $0x80, v2, vm0, $0xb8;
	[tilespmem:$0x10400] =	vst v63  }
0xcc: {  	s19 =	simm.s32 $0x3C00  }
0xcd: {  	[tilespmem:s19], [sflag:$0x2] =	stream.indirect_vreg.gather [hbm4b:s7+s3], $0x80, v2, vm0, $0xb8;
	[tilespmem:$0x10400] =	vst v63  }
0xce: {  	_ =	swait.ge [sflag:s11], $0x4000  }
0xcf: {  	[sflag:s11] =	ssyncset.done $0x0  }
0xd0: {  	[sflag:s11] =	ssyncadd.s32 $0xFFFFC000  }
0xd1: {  	v2 =	vld.msk [tilespmem:s2+$0xFFFFFFD8], $0xff;
	_ =	sdelay $0x4  }
0xd2: {  	v3 =	vshll.u32 v2, $0x3  }
0xd3: {  	v2 =	vand.u32 $0x7, v2;
	v3 =	vand.u32 $0xFFFFFFC0, v3  }
0xd4: {  	v2 =	vor.u32 v2, v3  }
0xd5: {  	v2 =	vperm.xlane v2, v0;
	_ =	sdelay $0x1  }
0xd6: {  	v2 =	vadd.s32 v1, v2;
	_ =	sdelay $0x4  }
0xd7: {  	[tilespmem:s29], [sflag:$0x3] =	stream.indirect_vreg.gather [hbm4b:s1+s3], $0x80, v2, vm0, $0xb8;
	[tilespmem:$0x10400] =	vst v63  }
0xd8: {  	s19 =	simm.s32 $0x4C00  }
0xd9: {  	[tilespmem:s19], [sflag:$0x3] =	stream.indirect_vreg.gather [hbm4b:s5+s3], $0x80, v2, vm0, $0xb8;
	[tilespmem:$0x10400] =	vst v63  }
0xda: {  	s19 =	simm.s32 $0x5400  }
0xdb: {  	[tilespmem:s19], [sflag:$0x3] =	stream.indirect_vreg.gather [hbm4b:s6+s3], $0x80, v2, vm0, $0xb8;
	[tilespmem:$0x10400] =	vst v63  }
0xdc: {  	s19 =	simm.s32 $0x5C00  }
0xdd: {  	[tilespmem:s19], [sflag:$0x3] =	stream.indirect_vreg.gather [hbm4b:s7+s3], $0x80, v2, vm0, $0xb8;
	[tilespmem:$0x10400] =	vst v63  }
0xde: {  	v2 =	vld.msk [tilespmem:s2+$0xFFFFFFE0], $0xff;
	_ =	sdelay $0x4  }
0xdf: {  	v3 =	vshll.u32 v2, $0x3  }
0xe0: {  	v2 =	vand.u32 $0x7, v2;
	v3 =	vand.u32 $0xFFFFFFC0, v3  }
0xe1: {  	v2 =	vor.u32 v2, v3  }
0xe2: {  	v2 =	vperm.xlane v2, v0;
	_ =	sdelay $0x1  }
0xe3: {  	v2 =	vadd.s32 v1, v2;
	_ =	sdelay $0x3  }
0xe4: {  	s19 =	simm.s32 $0x6400  }
0xe5: {  	[tilespmem:s19], [sflag:$0x4] =	stream.indirect_vreg.gather [hbm4b:s1+s3], $0x80, v2, vm0, $0xb8;
	[tilespmem:$0x10400] =	vst v63  }
0xe6: {  	s19 =	simm.s32 $0x6C00  }
0xe7: {  	[tilespmem:s19], [sflag:$0x4] =	stream.indirect_vreg.gather [hbm4b:s5+s3], $0x80, v2, vm0, $0xb8;
	[tilespmem:$0x10400] =	vst v63  }
0xe8: {  	s19 =	simm.s32 $0x7400  }
0xe9: {  	[tilespmem:s19], [sflag:$0x4] =	stream.indirect_vreg.gather [hbm4b:s6+s3], $0x80, v2, vm0, $0xb8;
	[tilespmem:$0x10400] =	vst v63  }
0xea: {  	s19 =	simm.s32 $0x7C00  }
0xeb: {  	[tilespmem:s19], [sflag:$0x4] =	stream.indirect_vreg.gather [hbm4b:s7+s3], $0x80, v2, vm0, $0xb8;
	[tilespmem:$0x10400] =	vst v63  }
0xec: {  	_ =	swait.ge [sflag:s13], $0x4000  }
0xed: {  	[sflag:s13] =	ssyncset.done $0x0  }
0xee: {  	[sflag:s13] =	ssyncadd.s32 $0xFFFFC000  }
0xef: {  	v2 =	vld.msk [tilespmem:s2+$0xFFFFFFE8], $0xff;
	_ =	sdelay $0x4  }
0xf0: {  	v3 =	vshll.u32 v2, $0x3  }
0xf1: {  	v2 =	vand.u32 $0x7, v2;
	v3 =	vand.u32 $0xFFFFFFC0, v3  }
0xf2: {  	v2 =	vor.u32 v2, v3  }
0xf3: {  	v2 =	vperm.xlane v2, v0;
	_ =	sdelay $0x1  }
0xf4: {  	v2 =	vadd.s32 v1, v2;
	_ =	sdelay $0x4  }
0xf5: {  	[tilespmem:s8], [sflag:$0x5] =	stream.indirect_vreg.gather [hbm4b:s1+s3], $0x80, v2, vm0, $0xb8;
	[tilespmem:$0x10400] =	vst v63  }
0xf6: {  	s19 =	simm.s32 $0x8C00  }
0xf7: {  	[tilespmem:s19], [sflag:$0x5] =	stream.indirect_vreg.gather [hbm4b:s5+s3], $0x80, v2, vm0, $0xb8;
	[tilespmem:$0x10400] =	vst v63  }
0xf8: {  	s19 =	simm.s32 $0x9400  }
0xf9: {  	[tilespmem:s19], [sflag:$0x5] =	stream.indirect_vreg.gather [hbm4b:s6+s3], $0x80, v2, vm0, $0xb8;
	[tilespmem:$0x10400] =	vst v63  }
0xfa: {  	s19 =	simm.s32 $0x9C00  }
0xfb: {  	[tilespmem:s19], [sflag:$0x5] =	stream.indirect_vreg.gather [hbm4b:s7+s3], $0x80, v2, vm0, $0xb8;
	[tilespmem:$0x10400] =	vst v63  }
0xfc: {  	v2 =	vld.msk [tilespmem:s2+$0xFFFFFFF0], $0xff;
	_ =	sdelay $0x4  }
0xfd: {  	v3 =	vshll.u32 v2, $0x3  }
0xfe: {  	v2 =	vand.u32 $0x7, v2;
	v3 =	vand.u32 $0xFFFFFFC0, v3  }
0xff: {  	v2 =	vor.u32 v2, v3  }
0x100: {  	v2 =	vperm.xlane v2, v0;
	_ =	sdelay $0x1  }
0x101: {  	v2 =	vadd.s32 v1, v2;
	_ =	sdelay $0x3  }
0x102: {  	s19 =	simm.s32 $0xA400  }
0x103: {  	[tilespmem:s19], [sflag:$0x6] =	stream.indirect_vreg.gather [hbm4b:s1+s3], $0x80, v2, vm0, $0xb8;
	[tilespmem:$0x10400] =	vst v63  }
0x104: {  	s19 =	simm.s32 $0xAC00  }
0x105: {  	[tilespmem:s19], [sflag:$0x6] =	stream.indirect_vreg.gather [hbm4b:s5+s3], $0x80, v2, vm0, $0xb8;
	[tilespmem:$0x10400] =	vst v63  }
0x106: {  	s19 =	simm.s32 $0xB400  }
0x107: {  	[tilespmem:s19], [sflag:$0x6] =	stream.indirect_vreg.gather [hbm4b:s6+s3], $0x80, v2, vm0, $0xb8;
	[tilespmem:$0x10400] =	vst v63  }
0x108: {  	s19 =	simm.s32 $0xBC00  }
0x109: {  	[tilespmem:s19], [sflag:$0x6] =	stream.indirect_vreg.gather [hbm4b:s7+s3], $0x80, v2, vm0, $0xb8;
	[tilespmem:$0x10400] =	vst v63  }
0x10a: {  	_ =	swait.ge [sflag:s14], $0x4000  }
0x10b: {  	[sflag:s14] =	ssyncset.done $0x0  }
0x10c: {  	[sflag:s14] =	ssyncadd.s32 $0xFFFFC000  }
0x10d: {  	v2 =	vld.msk [tilespmem:s2+$0xFFFFFFF8], $0xff;
	_ =	sdelay $0x4  }
0x10e: {  	v3 =	vshll.u32 v2, $0x3  }
0x10f: {  	v2 =	vand.u32 $0x7, v2;
	v3 =	vand.u32 $0xFFFFFFC0, v3  }
0x110: {  	v2 =	vor.u32 v2, v3  }
0x111: {  	v2 =	vperm.xlane v2, v0;
	_ =	sdelay $0x1  }
0x112: {  	v2 =	vadd.s32 v1, v2;
	_ =	sdelay $0x4  }
0x113: {  	[tilespmem:s16], [sflag:$0x7] =	stream.indirect_vreg.gather [hbm4b:s1+s3], $0x80, v2, vm0, $0xb8;
	[tilespmem:$0x10400] =	vst v63  }
0x114: {  	_ = 	snop  }
0x115: {  	[tilespmem:s12], [sflag:$0x7] =	stream.indirect_vreg.gather [hbm4b:s5+s3], $0x80, v2, vm0, $0xb8;
	[tilespmem:$0x10400] =	vst v63  }
0x116: {  	_ = 	snop  }
0x117: {  	[tilespmem:s28], [sflag:$0x7] =	stream.indirect_vreg.gather [hbm4b:s6+s3], $0x80, v2, vm0, $0xb8;
	[tilespmem:$0x10400] =	vst v63  }
0x118: {  	_ = 	snop  }
0x119: {  	[tilespmem:s23], [sflag:$0x7] =	stream.indirect_vreg.gather [hbm4b:s7+s3], $0x80, v2, vm0, $0xb8;
	[tilespmem:$0x10400] =	vst v63  }
0x11a: {  	v2 =	vld.msk [tilespmem:s2+$0x0], $0xff;
	_ =	sdelay $0x4  }
0x11b: {  	v3 =	vshll.u32 v2, $0x3  }
0x11c: {  	v2 =	vand.u32 $0x7, v2;
	v3 =	vand.u32 $0xFFFFFFC0, v3  }
0x11d: {  	v2 =	vor.u32 v2, v3  }
0x11e: {  	v2 =	vperm.xlane v2, v0;
	_ =	sdelay $0x1  }
0x11f: {  	v2 =	vadd.s32 v1, v2;
	_ =	sdelay $0x3  }
0x120: {  	s19 =	simm.s32 $0xE400  }
0x121: {  	[tilespmem:s19], [sflag:$0x8] =	stream.indirect_vreg.gather [hbm4b:s1+s3], $0x80, v2, vm0, $0xb8;
	[tilespmem:$0x10400] =	vst v63  }
0x122: {  	p0 =	sne.s32 s15, $0x1C000  }
0x123: {  	[tilespmem:s21], [sflag:$0x8] =	stream.indirect_vreg.gather [hbm4b:s5+s3], $0x80, v2, vm0, $0xb8;
	[tilespmem:$0x10400] =	vst v63  }
.Ltmp0:
0x124: {  	_ = 	snop;
	(pc) =	sbr.rel @p0 .LBB2_2-.Ltmp0, $4  }
0x125: {  	_ = 	snop  }
0x126: {  	[tilespmem:s22], [sflag:$0x8] =	stream.indirect_vreg.gather [hbm4b:s6+s3], $0x80, v2, vm0, $0xb8;
	[tilespmem:$0x10400] =	vst v63  }
0x127: {  	s25 =	simm.s32 $0x400;
	s15 =	sadd.s32 $0x2000, s15;
	s2 =	sadd.s32 $0x40, s2  }
0x128: {  	[tilespmem:s20], [sflag:$0x8] =	stream.indirect_vreg.gather [hbm4b:s7+s3], $0x80, v2, vm0, $0xb8;
	[tilespmem:$0x10400] =	vst v63  }
0x129: {  	_ =	swait.ge [sflag:s30], $0x2000  }
0x12a: {  	[sflag:s30] =	ssyncset.done $0x0  }
0x12b: {  	s2 =	rddreg [dreg:$0x9];
	[sflag:s30] =	ssyncadd.s32 $0xFFFFE000  }
0x12c: {  	[hbm4b:s2+s3] =	stream.linear.scatter [tilespmem:s25], [sflag:$0x9], $0x2000, $0x38;
	[tilespmem:$0x10400] =	vst v63  }
0x12d: {  	_ =	swait.ge [sflag:s31], $0x2000  }
0x12e: {  	[sflag:s31] =	ssyncset.done $0x0  }
0x12f: {  	s15 =	simm.s32 $0x2400;
	s12 =	rddreg [dreg:$0xa];
	[sflag:s31] =	ssyncadd.s32 $0xFFFFE000  }
0x130: {  	[hbm4b:s12+s3] =	stream.linear.scatter [tilespmem:s15], [sflag:$0xA], $0x2000, $0x38;
	[tilespmem:$0x10400] =	vst v63  }
0x131: {  	_ =	swait.ge [sflag:s0], $0x2000  }
0x132: {  	[sflag:s0] =	ssyncset.done $0x0  }
0x133: {  	s15 =	rddreg [dreg:$0xb];
	[sflag:s0] =	ssyncadd.s32 $0xFFFFE000  }
0x134: {  	[hbm4b:s15+s3] =	stream.linear.scatter [tilespmem:s29], [sflag:$0xB], $0x2000, $0x38;
	[tilespmem:$0x10400] =	vst v63  }
0x135: {  	_ =	swait.ge [sflag:s17], $0x2000  }
0x136: {  	[sflag:s17] =	ssyncset.done $0x0  }
0x137: {  	s12 =	simm.s32 $0x6400;
	s19 =	rddreg [dreg:$0xc];
	[sflag:s17] =	ssyncadd.s32 $0xFFFFE000  }
0x138: {  	[hbm4b:s19+s3] =	stream.linear.scatter [tilespmem:s12], [sflag:$0xC], $0x2000, $0x38;
	[tilespmem:$0x10400] =	vst v63  }
0x139: {  	_ =	swait.ge [sflag:s18], $0x2000  }
0x13a: {  	[sflag:s18] =	ssyncset.done $0x0  }
0x13b: {  	s12 =	rddreg [dreg:$0xd];
	[sflag:s18] =	ssyncadd.s32 $0xFFFFE000  }
0x13c: {  	[hbm4b:s12+s3] =	stream.linear.scatter [tilespmem:s8], [sflag:$0xD], $0x2000, $0x38;
	[tilespmem:$0x10400] =	vst v63  }
0x13d: {  	_ =	swait.ge [sflag:s24], $0x2000  }
0x13e: {  	[sflag:s24] =	ssyncset.done $0x0  }
0x13f: {  	s19 =	simm.s32 $0xA400;
	s15 =	rddreg [dreg:$0xe];
	[sflag:s24] =	ssyncadd.s32 $0xFFFFE000  }
0x140: {  	[hbm4b:s15+s3] =	stream.linear.scatter [tilespmem:s19], [sflag:$0xE], $0x2000, $0x38;
	[tilespmem:$0x10400] =	vst v63  }
0x141: {  	_ =	swait.ge [sflag:s4], $0x2000  }
0x142: {  	[sflag:s4] =	ssyncset.done $0x0  }
0x143: {  	s12 =	rddreg [dreg:$0xf];
	[sflag:s4] =	ssyncadd.s32 $0xFFFFE000  }
0x144: {  	[hbm4b:s12+s3] =	stream.linear.scatter [tilespmem:s16], [sflag:$0xF], $0x2000, $0x38;
	[tilespmem:$0x10400] =	vst v63  }
0x145: {  	_ =	swait.ge [sflag:s9], $0x2000  }
0x146: {  	[sflag:s9] =	ssyncset.done $0x0  }
0x147: {  	s19 =	simm.s32 $0xE400;
	s15 =	rddreg [dreg:$0x10];
	[sflag:s9] =	ssyncadd.s32 $0xFFFFE000  }
0x148: {  	[hbm4b:s15+s3] =	stream.linear.scatter [tilespmem:s19], [sflag:$0x10], $0x2000, $0x38;
	[tilespmem:$0x10400] =	vst v63  }
0x149: {  	_ =	swait.ge [sflag:s10], $0x2000  }
0x14a: {  	[sflag:s10] =	ssyncset.done $0x0  }
0x14b: {  	s12 =	simm.s32 $0xA;
	[sflag:s10] =	ssyncadd.s32 $0xFFFFE000  }
0x14c: {  	_ =	swait.ge [sflag:s12], $0x2000  }
0x14d: {  	[sflag:s12] =	ssyncset.done $0x0  }
0x14e: {  	[sflag:s12] =	ssyncadd.s32 $0xFFFFE000  }
0x14f: {  	_ =	swait.ge [sflag:s11], $0x2000  }
0x150: {  	[sflag:s11] =	ssyncset.done $0x0  }
0x151: {  	s15 =	simm.s32 $0xC;
	[sflag:s11] =	ssyncadd.s32 $0xFFFFE000  }
0x152: {  	_ =	swait.ge [sflag:s15], $0x2000  }
0x153: {  	[sflag:s15] =	ssyncset.done $0x0  }
0x154: {  	[sflag:s15] =	ssyncadd.s32 $0xFFFFE000  }
0x155: {  	_ =	swait.ge [sflag:s13], $0x2000  }
0x156: {  	[sflag:s13] =	ssyncset.done $0x0  }
0x157: {  	s19 =	simm.s32 $0xE;
	[sflag:s13] =	ssyncadd.s32 $0xFFFFE000  }
0x158: {  	_ =	swait.ge [sflag:s19], $0x2000  }
0x159: {  	[sflag:s19] =	ssyncset.done $0x0  }
0x15a: {  	[sflag:s19] =	ssyncadd.s32 $0xFFFFE000  }
0x15b: {  	_ =	swait.ge [sflag:s14], $0x2000  }
0x15c: {  	[sflag:s14] =	ssyncset.done $0x0  }
0x15d: {  	s12 =	simm.s32 $0x10;
	[sflag:s14] =	ssyncadd.s32 $0xFFFFE000  }
0x15e: {  	_ =	swait.ge [sflag:s12], $0x2000  }
0x15f: {  	s2 =	rddreg [dreg:$0x12]  }
0x160: {  	s19 =	rddreg [dreg:$0x11];
	s15 =	sadd.s32 $0x1, s2  }
0x161: {  	p0 =	sne.s32 s15, s19  }
.Ltmp1:
0x162: {  	_ = 	snop;
	(pc) =	sbr.rel @p0 .LBB2_1-.Ltmp1, $3  }
0x163: {  	_ =	sdelay $0x1  }
0x164: {  	[sflag:s12] =	ssyncset.done $0x0  }
0x165: {  	[sflag:s12] =	ssyncadd.s32 $0xFFFFE000  }
0x166: {  	_ =	sfence.sel $0x180000  }
0x167: {  	[bflag:$0x0] =	sbarrier.arrive $0xFFFF  }
0x168: {  	_ =	strace $0x90000047  }
0x169: {  	s0 =	stileid.u32;
	[bflag:$0x2] =	sbarrier.arrive $0xFFFF  }
0x16a: {  	p0 =	sne.s32 s0, $0x0;
	s0 =	rddreg [dreg:$0x3]  }
0x16b: {  	s0 =	sadd.s32 @!p0 $0x100000, s0  }
0x16c: {  	[sflag:s0] =	ssyncadd.tile.s32 @!p0 $0x1;
	_ =	shalt  }
.Lfunc_end2:
_tile_overlayer_lowered:
.L_overlay_start_2:
0x16d: {  	(tag) =	ssettag $0x2  }
0x16e: {  	s0 =	rddreg [dreg:$0x0];
	s2 =	stileid.u32  }
0x16f: {  	s1 =	rddreg [dreg:$0x1];
	p0 =	sne.s32 s2, $0x0  }
0x170: {  	s3 =	rddreg [dreg:$0x2];
	[bflag:$0x3] =	sbarrier.arrive $0xFFFF;
	s2 =	simm.s32 @!p0 $0x1C11  }
0x171: {  	[timem:s3], [sflag:s2] =	dma.local @!p0 [hbm:s0], s1  }
0x172: {  	s0 =	simm.s32 @!p0 $0x11  }
0x173: {  	_ =	swait.ge @!p0 [sflag:s0], s1  }
0x174: {  	s1 =	ssub.s32 @!p0 $0x0, s1;
	[sflag:s0] =	ssyncset.done @!p0 $0x0  }
0x175: {  	[sflag:s0] =	ssyncadd.s32 @!p0 s1  }
0x176: {  	[bflag:$0x3] =	sbarrier.arrive $0xFFFF  }
0x177: {  	_ =	shalt  }

</sc_bundles>
